<compile_context>
chip_gen: v7x
topology: tpu7x:2x2x1
jax: 0.10.2.dev20260603
libtpu: 0.0.44.dev20260713+nightly
codegen_flags: <defaults>
</compile_context>

<pallas_src>
import functools

import jax
import jax.numpy as jnp
from jax import lax
from jax.experimental import pallas as pl
from jax.experimental.pallas import tpu as pltpu
from jax.experimental.pallas import tpu_sc as plsc

_NC = 2
_NS = 16
_NW = _NC * _NS
_L = 16


@functools.cache
def _sc_pool(B, S, V, E):
    bpw = B // _NW
    nvec = E // _L
    mesh = plsc.VectorSubcoreMesh(core_axis_name="c", subcore_axis_name="s")

    @functools.partial(
        pl.kernel,
        out_type=jax.ShapeDtypeStruct((B, E), jnp.float32),
        mesh=mesh,
        scratch_types=[
            pltpu.VMEM((S, bpw), jnp.int32),
            pltpu.VMEM((bpw, E), jnp.float32),
            pltpu.VMEM((bpw, E), jnp.float32),
            pltpu.VMEM((bpw, E), jnp.float32),
            pltpu.SemaphoreType.DMA,
            pltpu.SemaphoreType.DMA,
        ],
        compiler_params=pltpu.CompilerParams(use_tc_tiling_on_sc=False),
    )
    def pool(table_hbm, text_hbm, out_hbm, idx_v, rows_a, rows_b, acc_v, sem_a, sem_b):
        wid = lax.axis_index("s") * _NC + lax.axis_index("c")
        base = wid * bpw
        pltpu.sync_copy(text_hbm.at[:, pl.ds(base, bpw)], idx_v)

        pltpu.async_copy(table_hbm.at[idx_v.at[0]], rows_a, sem_a)
        pltpu.async_copy(table_hbm.at[idx_v.at[1]], rows_b, sem_b)

        def zero(e, _):
            for j in range(nvec):
                acc_v[e, pl.ds(j * _L, _L)] = jnp.zeros((_L,), jnp.float32)
            return 0

        lax.fori_loop(0, bpw, zero, 0, unroll=8)

        def process(s, rows, sem):
            pltpu.make_async_copy(table_hbm.at[idx_v.at[s]], rows, sem).wait()

            def add(e, _):
                for j in range(nvec):
                    plsc.addupdate(
                        acc_v.at[e, pl.ds(j * _L, _L)],
                        rows[e, pl.ds(j * _L, _L)],
                    )
                return 0

            lax.fori_loop(0, bpw, add, 0, unroll=8)

            nxt = s + 2

            @pl.when(nxt < S)
            def _():
                pltpu.async_copy(table_hbm.at[idx_v.at[nxt]], rows, sem)

        def outer(k, _):
            process(2 * k, rows_a, sem_a)
            process(2 * k + 1, rows_b, sem_b)
            return 0

        lax.fori_loop(0, S // 2, outer, 0)
        pltpu.sync_copy(acc_v, out_hbm.at[pl.ds(base, bpw)])

    return pool


@functools.cache
def _tc_head(B, E, O, S):
    def head(p_ref, w_ref, b_ref, o_ref):
        pooled = p_ref[...] * (1.0 / S)
        o_ref[...] = (
            lax.dot_general(
                pooled, w_ref[...],
                (((1,), (1,)), ((), ())),
                preferred_element_type=jnp.float32,
            )
            + b_ref[...]
        )

    return pl.pallas_call(
        head,
        out_shape=jax.ShapeDtypeStruct((B, O), jnp.float32),
    )


def kernel(text, emb_table, W, b):
    S, B = text.shape
    V, E = emb_table.shape
    O = W.shape[0]
    pooled_sum = _sc_pool(B, S, V, E)(emb_table, text.astype(jnp.int32))
    return _tc_head(B, E, O, S)(pooled_sum, W, b.reshape(1, O))

# --- scband reference (transcript-rebuilt; emitter-appended) ---
"""Pipeline reference for scband-language-indentifier-fast-text-59176059404311 (READ-ONLY COPY).

The authoritative reference and input builder live on the scoring server;
editing this copy changes nothing except your own understanding.
"""

import jax, jax.numpy as jnp
import numpy as np

VOCAB = 1000000
EMB = 64
OUT = 176
PAD = 0
SEQ = 200
BATCH = 4096


def setup_inputs(seed: int = 0) -> dict:
    key = jax.random.key(seed)
    k1, k2, k3, k4 = jax.random.split(key, 4)
    text = jax.random.randint(k1, (SEQ, BATCH), 0, VOCAB, dtype=jnp.int64 if jax.config.jax_enable_x64 else jnp.int32)
    emb_table = jax.random.normal(k2, (VOCAB, EMB), dtype=jnp.float32)
    # emulate padding_idx=0: row PAD is zero-initialized
    emb_table = emb_table.at[PAD].set(0.0)
    W = jax.random.normal(k3, (OUT, EMB), dtype=jnp.float32) * (1.0 / np.sqrt(EMB))
    b = jax.random.normal(k4, (OUT,), dtype=jnp.float32) * 0.01
    return {"text": text, "emb_table": emb_table, "W": W, "b": b}


def reference(text, emb_table, W, b):
    # embedding lookup: [S, B] -> [S, B, E]
    embedded = jnp.take(emb_table, text, axis=0)
    # permute(1, 0, 2): [B, S, E]
    embedded = jnp.transpose(embedded, (1, 0, 2))
    # avg_pool2d over (seq_len, 1) then squeeze -> mean over seq dim: [B, E]
    pooled = jnp.mean(embedded, axis=1)
    # linear head: [B, OUT]
    return pooled @ W.T + b

if __name__ == "__main__":
    import jax
    _d = setup_inputs()
    print(jax.jit(kernel)(*tuple(_d.values())))

</pallas_src>

<mosaic_0001>
#map = affine_map<(d0, d1) -> (0, 0)>
module attributes {stable_mosaic.version = 14 : i64} {
  func.func @pool(%arg0: i32, %arg1: i32, %arg2: memref<1000000x64xf32, #tpu.memory_space<hbm>>, %arg3: memref<200x4096xi32, #tpu.memory_space<hbm>>, %arg4: memref<4096x64xf32, #tpu.memory_space<hbm>>, %arg5: memref<200x128xi32, #tpu.memory_space<vmem>>, %arg6: memref<128x64xf32, #tpu.memory_space<vmem>>, %arg7: memref<128x64xf32, #tpu.memory_space<vmem>>, %arg8: memref<128x64xf32, #tpu.memory_space<vmem>>, %arg9: memref<!tpu.dma_semaphore, #tpu.memory_space<semaphore_mem>>, %arg10: memref<!tpu.dma_semaphore, #tpu.memory_space<semaphore_mem>>) attributes {dimension_semantics = [#tpu.dimension_semantics<core_parallel>, #tpu.dimension_semantics<subcore_parallel>], iteration_bounds = array<i64: 2, 16>, scalar_prefetch = 0 : i64, scratch_operands = 6 : i64, tpu.core_type = #tpu.core_type<sc_vector_subcore>, window_params = [{transform_indices = #map}, {transform_indices = #map}, {transform_indices = #map}]} {
    %mul3A = arith.constant 2 : i32
    %mul3A_0 = arith.muli %arg1, %mul3A : i32
    %add3A = arith.addi %mul3A_0, %arg0 : i32
    %mul3A_1 = arith.constant 128 : i32
    %mul3A_2 = arith.muli %add3A, %mul3A_1 : i32
    "tpu.region"() ({
      %run_scoped3A = tpu.sem_alloc : memref<!tpu.dma_semaphore, #tpu.memory_space<semaphore_mem>>
      %dma_start3A_29 = arith.constant 0 : i32
      %dma_start3A_30 = tpu.memref_slice %arg3[%dma_start3A_29, %mul3A_2] : memref<200x4096xi32, #tpu.memory_space<hbm>> -> memref<200x128xi32, #tpu.memory_space<hbm>>
      %dma_start3A_31 = arith.constant 0 : i32
      %dma_start3A_32 = tpu.memref_slice %arg3[%dma_start3A_31, %mul3A_2] : memref<200x4096xi32, #tpu.memory_space<hbm>> -> memref<200x128xi32, #tpu.memory_space<hbm>>
      tpu.enqueue_dma source(%dma_start3A_32 : memref<200x128xi32, #tpu.memory_space<hbm>>) target(%arg5 : memref<200x128xi32, #tpu.memory_space<vmem>>) target_semaphore(%run_scoped3A : memref<!tpu.dma_semaphore, #tpu.memory_space<semaphore_mem>>)
      %dma_wait3A = arith.constant 0 : i32
      %dma_wait3A_33 = tpu.memref_slice %arg3[%dma_wait3A, %mul3A_2] : memref<200x4096xi32, #tpu.memory_space<hbm>> -> memref<200x128xi32, #tpu.memory_space<hbm>>
      %dma_wait3A_34 = arith.constant 0 : i32
      %dma_wait3A_35 = tpu.memref_slice %arg3[%dma_wait3A_34, %mul3A_2] : memref<200x4096xi32, #tpu.memory_space<hbm>> -> memref<200x128xi32, #tpu.memory_space<hbm>>
      tpu.wait_dma2 semaphore(%run_scoped3A : memref<!tpu.dma_semaphore, #tpu.memory_space<semaphore_mem>>) src(%dma_wait3A_35 : memref<200x128xi32, #tpu.memory_space<hbm>>) dst(%arg5 : memref<200x128xi32, #tpu.memory_space<vmem>>)
      tpu.yield
    }) : () -> ()
    %dma_start3A = arith.constant 0 : i32
    %dma_start3A_3 = arith.constant 0 : i32
    %dma_start3A_4 = tpu.memref_slice %arg5[%dma_start3A, %dma_start3A_3] : memref<200x128xi32, #tpu.memory_space<vmem>> -> memref<1x128xi32, #tpu.memory_space<vmem>>
    %dma_start3A_5 = tpu.memref_squeeze %dma_start3A_4 : memref<1x128xi32, #tpu.memory_space<vmem>> -> memref<128xi32, #tpu.memory_space<vmem>>
    %dma_start3A_6 = arith.constant 0 : i32
    %dma_start3A_7 = arith.constant 0 : i32
    %dma_start3A_8 = tpu.memref_slice %arg2[%dma_start3A_6, %dma_start3A_7] : memref<1000000x64xf32, #tpu.memory_space<hbm>> -> memref<1000000x64xf32, #tpu.memory_space<hbm>>
    tpu.enqueue_indirect_dma source(%dma_start3A_8 : memref<1000000x64xf32, #tpu.memory_space<hbm>>) target(%arg6 : memref<128x64xf32, #tpu.memory_space<vmem>>) offsets(%dma_start3A_5 : memref<128xi32, #tpu.memory_space<vmem>>) semaphore(%arg9 : memref<!tpu.dma_semaphore, #tpu.memory_space<semaphore_mem>>)
    %dma_start3A_9 = arith.constant 1 : i32
    %dma_start3A_10 = arith.constant 0 : i32
    %dma_start3A_11 = tpu.memref_slice %arg5[%dma_start3A_9, %dma_start3A_10] : memref<200x128xi32, #tpu.memory_space<vmem>> -> memref<1x128xi32, #tpu.memory_space<vmem>>
    %dma_start3A_12 = tpu.memref_squeeze %dma_start3A_11 : memref<1x128xi32, #tpu.memory_space<vmem>> -> memref<128xi32, #tpu.memory_space<vmem>>
    %dma_start3A_13 = arith.constant 0 : i32
    %dma_start3A_14 = arith.constant 0 : i32
    %dma_start3A_15 = tpu.memref_slice %arg2[%dma_start3A_13, %dma_start3A_14] : memref<1000000x64xf32, #tpu.memory_space<hbm>> -> memref<1000000x64xf32, #tpu.memory_space<hbm>>
    tpu.enqueue_indirect_dma source(%dma_start3A_15 : memref<1000000x64xf32, #tpu.memory_space<hbm>>) target(%arg7 : memref<128x64xf32, #tpu.memory_space<vmem>>) offsets(%dma_start3A_12 : memref<128xi32, #tpu.memory_space<vmem>>) semaphore(%arg10 : memref<!tpu.dma_semaphore, #tpu.memory_space<semaphore_mem>>)
    %scan3A = arith.constant 0 : i32
    %scan3A_16 = arith.constant 0 : i32
    %scan3A_17 = arith.constant 128 : i32
    %scan3A_18 = arith.addi %scan3A_16, %scan3A_17 : i32
    %scan3A_19 = arith.constant 8 : i32
    %scan3A_20 = scf.for %scan3A_29 = %scan3A_16 to %scan3A_18 step %scan3A_19 iter_args(%scan3A_30 = %scan3A) -> (i32)  : i32 {
      %broadcast_in_dim3A = arith.constant 0.000000e+00 : f32
      %broadcast_in_dim3A_31 = vector.broadcast %broadcast_in_dim3A : f32 to vector<16xf32>
      %swap3A = arith.index_cast %scan3A_29 : i32 to index
      %swap3A_32 = arith.constant 0 : index
      %swap3A_33 = tpu.vector_load %arg8[%swap3A, %swap3A_32] {strides = array<i32>} : memref<128x64xf32, #tpu.memory_space<vmem>>, vector<1x16xf32>,
      %swap3A_34 = vector.shape_cast %swap3A_33 : vector<1x16xf32> to vector<16xf32>
      %swap3A_35 = vector.shape_cast %broadcast_in_dim3A_31 : vector<16xf32> to vector<1x16xf32>
      tpu.vector_store %arg8[%swap3A, %swap3A_32], %swap3A_35 {strides = array<i32>} : memref<128x64xf32, #tpu.memory_space<vmem>>, vector<1x16xf32>,
      %broadcast_in_dim3A_36 = arith.constant 0.000000e+00 : f32
      %broadcast_in_dim3A_37 = vector.broadcast %broadcast_in_dim3A_36 : f32 to vector<16xf32>
      %swap3A_38 = arith.index_cast %scan3A_29 : i32 to index
      %swap3A_39 = arith.constant 16 : index
      %swap3A_40 = tpu.vector_load %arg8[%swap3A_38, %swap3A_39] {strides = array<i32>} : memref<128x64xf32, #tpu.memory_space<vmem>>, vector<1x16xf32>,
      %swap3A_41 = vector.shape_cast %swap3A_40 : vector<1x16xf32> to vector<16xf32>
      %swap3A_42 = vector.shape_cast %broadcast_in_dim3A_37 : vector<16xf32> to vector<1x16xf32>
      tpu.vector_store %arg8[%swap3A_38, %swap3A_39], %swap3A_42 {strides = array<i32>} : memref<128x64xf32, #tpu.memory_space<vmem>>, vector<1x16xf32>,
      %broadcast_in_dim3A_43 = arith.constant 0.000000e+00 : f32
      %broadcast_in_dim3A_44 = vector.broadcast %broadcast_in_dim3A_43 : f32 to vector<16xf32>
      %swap3A_45 = arith.index_cast %scan3A_29 : i32 to index
      %swap3A_46 = arith.constant 32 : index
      %swap3A_47 = tpu.vector_load %arg8[%swap3A_45, %swap3A_46] {strides = array<i32>} : memref<128x64xf32, #tpu.memory_space<vmem>>, vector<1x16xf32>,
      %swap3A_48 = vector.shape_cast %swap3A_47 : vector<1x16xf32> to vector<16xf32>
      %swap3A_49 = vector.shape_cast %broadcast_in_dim3A_44 : vector<16xf32> to vector<1x16xf32>
      tpu.vector_store %arg8[%swap3A_45, %swap3A_46], %swap3A_49 {strides = array<i32>} : memref<128x64xf32, #tpu.memory_space<vmem>>, vector<1x16xf32>,
      %broadcast_in_dim3A_50 = arith.constant 0.000000e+00 : f32
      %broadcast_in_dim3A_51 = vector.broadcast %broadcast_in_dim3A_50 : f32 to vector<16xf32>
      %swap3A_52 = arith.index_cast %scan3A_29 : i32 to index
      %swap3A_53 = arith.constant 48 : index
      %swap3A_54 = tpu.vector_load %arg8[%swap3A_52, %swap3A_53] {strides = array<i32>} : memref<128x64xf32, #tpu.memory_space<vmem>>, vector<1x16xf32>,
      %swap3A_55 = vector.shape_cast %swap3A_54 : vector<1x16xf32> to vector<16xf32>
      %swap3A_56 = vector.shape_cast %broadcast_in_dim3A_51 : vector<16xf32> to vector<1x16xf32>
      tpu.vector_store %arg8[%swap3A_52, %swap3A_53], %swap3A_56 {strides = array<i32>} : memref<128x64xf32, #tpu.memory_space<vmem>>, vector<1x16xf32>,
      %scan3A_57 = arith.constant 0 : i32
      %scan3A_58 = arith.constant 1 : i32
      %scan3A_59 = arith.addi %scan3A_29, %scan3A_58 : i32
      %broadcast_in_dim3A_60 = arith.constant 0.000000e+00 : f32
      %broadcast_in_dim3A_61 = vector.broadcast %broadcast_in_dim3A_60 : f32 to vector<16xf32>
      %swap3A_62 = arith.index_cast %scan3A_59 : i32 to index
      %swap3A_63 = arith.constant 0 : index
      %swap3A_64 = tpu.vector_load %arg8[%swap3A_62, %swap3A_63] {strides = array<i32>} : memref<128x64xf32, #tpu.memory_space<vmem>>, vector<1x16xf32>,
      %swap3A_65 = vector.shape_cast %swap3A_64 : vector<1x16xf32> to vector<16xf32>
      %swap3A_66 = vector.shape_cast %broadcast_in_dim3A_61 : vector<16xf32> to vector<1x16xf32>
      tpu.vector_store %arg8[%swap3A_62, %swap3A_63], %swap3A_66 {strides = array<i32>} : memref<128x64xf32, #tpu.memory_space<vmem>>, vector<1x16xf32>,
      %broadcast_in_dim3A_67 = arith.constant 0.000000e+00 : f32
      %broadcast_in_dim3A_68 = vector.broadcast %broadcast_in_dim3A_67 : f32 to vector<16xf32>
      %swap3A_69 = arith.index_cast %scan3A_59 : i32 to index
      %swap3A_70 = arith.constant 16 : index
      %swap3A_71 = tpu.vector_load %arg8[%swap3A_69, %swap3A_70] {strides = array<i32>} : memref<128x64xf32, #tpu.memory_space<vmem>>, vector<1x16xf32>,
      %swap3A_72 = vector.shape_cast %swap3A_71 : vector<1x16xf32> to vector<16xf32>
      %swap3A_73 = vector.shape_cast %broadcast_in_dim3A_68 : vector<16xf32> to vector<1x16xf32>
      tpu.vector_store %arg8[%swap3A_69, %swap3A_70], %swap3A_73 {strides = array<i32>} : memref<128x64xf32, #tpu.memory_space<vmem>>, vector<1x16xf32>,
      %broadcast_in_dim3A_74 = arith.constant 0.000000e+00 : f32
      %broadcast_in_dim3A_75 = vector.broadcast %broadcast_in_dim3A_74 : f32 to vector<16xf32>
      %swap3A_76 = arith.index_cast %scan3A_59 : i32 to index
      %swap3A_77 = arith.constant 32 : index
      %swap3A_78 = tpu.vector_load %arg8[%swap3A_76, %swap3A_77] {strides = array<i32>} : memref<128x64xf32, #tpu.memory_space<vmem>>, vector<1x16xf32>,
      %swap3A_79 = vector.shape_cast %swap3A_78 : vector<1x16xf32> to vector<16xf32>
      %swap3A_80 = vector.shape_cast %broadcast_in_dim3A_75 : vector<16xf32> to vector<1x16xf32>
      tpu.vector_store %arg8[%swap3A_76, %swap3A_77], %swap3A_80 {strides = array<i32>} : memref<128x64xf32, #tpu.memory_space<vmem>>, vector<1x16xf32>,
      %broadcast_in_dim3A_81 = arith.constant 0.000000e+00 : f32
      %broadcast_in_dim3A_82 = vector.broadcast %broadcast_in_dim3A_81 : f32 to vector<16xf32>
      %swap3A_83 = arith.index_cast %scan3A_59 : i32 to index
      %swap3A_84 = arith.constant 48 : index
      %swap3A_85 = tpu.vector_load %arg8[%swap3A_83, %swap3A_84] {strides = array<i32>} : memref<128x64xf32, #tpu.memory_space<vmem>>, vector<1x16xf32>,
      %swap3A_86 = vector.shape_cast %swap3A_85 : vector<1x16xf32> to vector<16xf32>
      %swap3A_87 = vector.shape_cast %broadcast_in_dim3A_82 : vector<16xf32> to vector<1x16xf32>
      tpu.vector_store %arg8[%swap3A_83, %swap3A_84], %swap3A_87 {strides = array<i32>} : memref<128x64xf32, #tpu.memory_space<vmem>>, vector<1x16xf32>,
      %scan3A_88 = arith.constant 0 : i32
      %scan3A_89 = arith.constant 2 : i32
      %scan3A_90 = arith.addi %scan3A_29, %scan3A_89 : i32
      %broadcast_in_dim3A_91 = arith.constant 0.000000e+00 : f32
      %broadcast_in_dim3A_92 = vector.broadcast %broadcast_in_dim3A_91 : f32 to vector<16xf32>
      %swap3A_93 = arith.index_cast %scan3A_90 : i32 to index
      %swap3A_94 = arith.constant 0 : index
      %swap3A_95 = tpu.vector_load %arg8[%swap3A_93, %swap3A_94] {strides = array<i32>} : memref<128x64xf32, #tpu.memory_space<vmem>>, vector<1x16xf32>,
      %swap3A_96 = vector.shape_cast %swap3A_95 : vector<1x16xf32> to vector<16xf32>
      %swap3A_97 = vector.shape_cast %broadcast_in_dim3A_92 : vector<16xf32> to vector<1x16xf32>
      tpu.vector_store %arg8[%swap3A_93, %swap3A_94], %swap3A_97 {strides = array<i32>} : memref<128x64xf32, #tpu.memory_space<vmem>>, vector<1x16xf32>,
      %broadcast_in_dim3A_98 = arith.constant 0.000000e+00 : f32
      %broadcast_in_dim3A_99 = vector.broadcast %broadcast_in_dim3A_98 : f32 to vector<16xf32>
      %swap3A_100 = arith.index_cast %scan3A_90 : i32 to index
      %swap3A_101 = arith.constant 16 : index
      %swap3A_102 = tpu.vector_load %arg8[%swap3A_100, %swap3A_101] {strides = array<i32>} : memref<128x64xf32, #tpu.memory_space<vmem>>, vector<1x16xf32>,
      %swap3A_103 = vector.shape_cast %swap3A_102 : vector<1x16xf32> to vector<16xf32>
      %swap3A_104 = vector.shape_cast %broadcast_in_dim3A_99 : vector<16xf32> to vector<1x16xf32>
      tpu.vector_store %arg8[%swap3A_100, %swap3A_101], %swap3A_104 {strides = array<i32>} : memref<128x64xf32, #tpu.memory_space<vmem>>, vector<1x16xf32>,
      %broadcast_in_dim3A_105 = arith.constant 0.000000e+00 : f32
      %broadcast_in_dim3A_106 = vector.broadcast %broadcast_in_dim3A_105 : f32 to vector<16xf32>
      %swap3A_107 = arith.index_cast %scan3A_90 : i32 to index
      %swap3A_108 = arith.constant 32 : index
      %swap3A_109 = tpu.vector_load %arg8[%swap3A_107, %swap3A_108] {strides = array<i32>} : memref<128x64xf32, #tpu.memory_space<vmem>>, vector<1x16xf32>,
      %swap3A_110 = vector.shape_cast %swap3A_109 : vector<1x16xf32> to vector<16xf32>
      %swap3A_111 = vector.shape_cast %broadcast_in_dim3A_106 : vector<16xf32> to vector<1x16xf32>
      tpu.vector_store %arg8[%swap3A_107, %swap3A_108], %swap3A_111 {strides = array<i32>} : memref<128x64xf32, #tpu.memory_space<vmem>>, vector<1x16xf32>,
      %broadcast_in_dim3A_112 = arith.constant 0.000000e+00 : f32
      %broadcast_in_dim3A_113 = vector.broadcast %broadcast_in_dim3A_112 : f32 to vector<16xf32>
      %swap3A_114 = arith.index_cast %scan3A_90 : i32 to index
      %swap3A_115 = arith.constant 48 : index
      %swap3A_116 = tpu.vector_load %arg8[%swap3A_114, %swap3A_115] {strides = array<i32>} : memref<128x64xf32, #tpu.memory_space<vmem>>, vector<1x16xf32>,
      %swap3A_117 = vector.shape_cast %swap3A_116 : vector<1x16xf32> to vector<16xf32>
      %swap3A_118 = vector.shape_cast %broadcast_in_dim3A_113 : vector<16xf32> to vector<1x16xf32>
      tpu.vector_store %arg8[%swap3A_114, %swap3A_115], %swap3A_118 {strides = array<i32>} : memref<128x64xf32, #tpu.memory_space<vmem>>, vector<1x16xf32>,
      %scan3A_119 = arith.constant 0 : i32
      %scan3A_120 = arith.constant 3 : i32
      %scan3A_121 = arith.addi %scan3A_29, %scan3A_120 : i32
      %broadcast_in_dim3A_122 = arith.constant 0.000000e+00 : f32
      %broadcast_in_dim3A_123 = vector.broadcast %broadcast_in_dim3A_122 : f32 to vector<16xf32>
      %swap3A_124 = arith.index_cast %scan3A_121 : i32 to index
      %swap3A_125 = arith.constant 0 : index
      %swap3A_126 = tpu.vector_load %arg8[%swap3A_124, %swap3A_125] {strides = array<i32>} : memref<128x64xf32, #tpu.memory_space<vmem>>, vector<1x16xf32>,
      %swap3A_127 = vector.shape_cast %swap3A_126 : vector<1x16xf32> to vector<16xf32>
      %swap3A_128 = vector.shape_cast %broadcast_in_dim3A_123 : vector<16xf32> to vector<1x16xf32>
      tpu.vector_store %arg8[%swap3A_124, %swap3A_125], %swap3A_128 {strides = array<i32>} : memref<128x64xf32, #tpu.memory_space<vmem>>, vector<1x16xf32>,
      %broadcast_in_dim3A_129 = arith.constant 0.000000e+00 : f32
      %broadcast_in_dim3A_130 = vector.broadcast %broadcast_in_dim3A_129 : f32 to vector<16xf32>
      %swap3A_131 = arith.index_cast %scan3A_121 : i32 to index
      %swap3A_132 = arith.constant 16 : index
      %swap3A_133 = tpu.vector_load %arg8[%swap3A_131, %swap3A_132] {strides = array<i32>} : memref<128x64xf32, #tpu.memory_space<vmem>>, vector<1x16xf32>,
      %swap3A_134 = vector.shape_cast %swap3A_133 : vector<1x16xf32> to vector<16xf32>
      %swap3A_135 = vector.shape_cast %broadcast_in_dim3A_130 : vector<16xf32> to vector<1x16xf32>
      tpu.vector_store %arg8[%swap3A_131, %swap3A_132], %swap3A_135 {strides = array<i32>} : memref<128x64xf32, #tpu.memory_space<vmem>>, vector<1x16xf32>,
      %broadcast_in_dim3A_136 = arith.constant 0.000000e+00 : f32
      %broadcast_in_dim3A_137 = vector.broadcast %broadcast_in_dim3A_136 : f32 to vector<16xf32>
      %swap3A_138 = arith.index_cast %scan3A_121 : i32 to index
      %swap3A_139 = arith.constant 32 : index
      %swap3A_140 = tpu.vector_load %arg8[%swap3A_138, %swap3A_139] {strides = array<i32>} : memref<128x64xf32, #tpu.memory_space<vmem>>, vector<1x16xf32>,
      %swap3A_141 = vector.shape_cast %swap3A_140 : vector<1x16xf32> to vector<16xf32>
      %swap3A_142 = vector.shape_cast %broadcast_in_dim3A_137 : vector<16xf32> to vector<1x16xf32>
      tpu.vector_store %arg8[%swap3A_138, %swap3A_139], %swap3A_142 {strides = array<i32>} : memref<128x64xf32, #tpu.memory_space<vmem>>, vector<1x16xf32>,
      %broadcast_in_dim3A_143 = arith.constant 0.000000e+00 : f32
      %broadcast_in_dim3A_144 = vector.broadcast %broadcast_in_dim3A_143 : f32 to vector<16xf32>
      %swap3A_145 = arith.index_cast %scan3A_121 : i32 to index
      %swap3A_146 = arith.constant 48 : index
      %swap3A_147 = tpu.vector_load %arg8[%swap3A_145, %swap3A_146] {strides = array<i32>} : memref<128x64xf32, #tpu.memory_space<vmem>>, vector<1x16xf32>,
      %swap3A_148 = vector.shape_cast %swap3A_147 : vector<1x16xf32> to vector<16xf32>
      %swap3A_149 = vector.shape_cast %broadcast_in_dim3A_144 : vector<16xf32> to vector<1x16xf32>
      tpu.vector_store %arg8[%swap3A_145, %swap3A_146], %swap3A_149 {strides = array<i32>} : memref<128x64xf32, #tpu.memory_space<vmem>>, vector<1x16xf32>,
      %scan3A_150 = arith.constant 0 : i32
      %scan3A_151 = arith.constant 4 : i32
      %scan3A_152 = arith.addi %scan3A_29, %scan3A_151 : i32
      %broadcast_in_dim3A_153 = arith.constant 0.000000e+00 : f32
      %broadcast_in_dim3A_154 = vector.broadcast %broadcast_in_dim3A_153 : f32 to vector<16xf32>
      %swap3A_155 = arith.index_cast %scan3A_152 : i32 to index
      %swap3A_156 = arith.constant 0 : index
      %swap3A_157 = tpu.vector_load %arg8[%swap3A_155, %swap3A_156] {strides = array<i32>} : memref<128x64xf32, #tpu.memory_space<vmem>>, vector<1x16xf32>,
      %swap3A_158 = vector.shape_cast %swap3A_157 : vector<1x16xf32> to vector<16xf32>
      %swap3A_159 = vector.shape_cast %broadcast_in_dim3A_154 : vector<16xf32> to vector<1x16xf32>
      tpu.vector_store %arg8[%swap3A_155, %swap3A_156], %swap3A_159 {strides = array<i32>} : memref<128x64xf32, #tpu.memory_space<vmem>>, vector<1x16xf32>,
      %broadcast_in_dim3A_160 = arith.constant 0.000000e+00 : f32
      %broadcast_in_dim3A_161 = vector.broadcast %broadcast_in_dim3A_160 : f32 to vector<16xf32>
      %swap3A_162 = arith.index_cast %scan3A_152 : i32 to index
      %swap3A_163 = arith.constant 16 : index
      %swap3A_164 = tpu.vector_load %arg8[%swap3A_162, %swap3A_163] {strides = array<i32>} : memref<128x64xf32, #tpu.memory_space<vmem>>, vector<1x16xf32>,
      %swap3A_165 = vector.shape_cast %swap3A_164 : vector<1x16xf32> to vector<16xf32>
      %swap3A_166 = vector.shape_cast %broadcast_in_dim3A_161 : vector<16xf32> to vector<1x16xf32>
      tpu.vector_store %arg8[%swap3A_162, %swap3A_163], %swap3A_166 {strides = array<i32>} : memref<128x64xf32, #tpu.memory_space<vmem>>, vector<1x16xf32>,
      %broadcast_in_dim3A_167 = arith.constant 0.000000e+00 : f32
      %broadcast_in_dim3A_168 = vector.broadcast %broadcast_in_dim3A_167 : f32 to vector<16xf32>
      %swap3A_169 = arith.index_cast %scan3A_152 : i32 to index
      %swap3A_170 = arith.constant 32 : index
      %swap3A_171 = tpu.vector_load %arg8[%swap3A_169, %swap3A_170] {strides = array<i32>} : memref<128x64xf32, #tpu.memory_space<vmem>>, vector<1x16xf32>,
      %swap3A_172 = vector.shape_cast %swap3A_171 : vector<1x16xf32> to vector<16xf32>
      %swap3A_173 = vector.shape_cast %broadcast_in_dim3A_168 : vector<16xf32> to vector<1x16xf32>
      tpu.vector_store %arg8[%swap3A_169, %swap3A_170], %swap3A_173 {strides = array<i32>} : memref<128x64xf32, #tpu.memory_space<vmem>>, vector<1x16xf32>,
      %broadcast_in_dim3A_174 = arith.constant 0.000000e+00 : f32
      %broadcast_in_dim3A_175 = vector.broadcast %broadcast_in_dim3A_174 : f32 to vector<16xf32>
      %swap3A_176 = arith.index_cast %scan3A_152 : i32 to index
      %swap3A_177 = arith.constant 48 : index
      %swap3A_178 = tpu.vector_load %arg8[%swap3A_176, %swap3A_177] {strides = array<i32>} : memref<128x64xf32, #tpu.memory_space<vmem>>, vector<1x16xf32>,
      %swap3A_179 = vector.shape_cast %swap3A_178 : vector<1x16xf32> to vector<16xf32>
      %swap3A_180 = vector.shape_cast %broadcast_in_dim3A_175 : vector<16xf32> to vector<1x16xf32>
      tpu.vector_store %arg8[%swap3A_176, %swap3A_177], %swap3A_180 {strides = array<i32>} : memref<128x64xf32, #tpu.memory_space<vmem>>, vector<1x16xf32>,
      %scan3A_181 = arith.constant 0 : i32
      %scan3A_182 = arith.constant 5 : i32
      %scan3A_183 = arith.addi %scan3A_29, %scan3A_182 : i32
      %broadcast_in_dim3A_184 = arith.constant 0.000000e+00 : f32
      %broadcast_in_dim3A_185 = vector.broadcast %broadcast_in_dim3A_184 : f32 to vector<16xf32>
      %swap3A_186 = arith.index_cast %scan3A_183 : i32 to index
      %swap3A_187 = arith.constant 0 : index
      %swap3A_188 = tpu.vector_load %arg8[%swap3A_186, %swap3A_187] {strides = array<i32>} : memref<128x64xf32, #tpu.memory_space<vmem>>, vector<1x16xf32>,
      %swap3A_189 = vector.shape_cast %swap3A_188 : vector<1x16xf32> to vector<16xf32>
      %swap3A_190 = vector.shape_cast %broadcast_in_dim3A_185 : vector<16xf32> to vector<1x16xf32>
      tpu.vector_store %arg8[%swap3A_186, %swap3A_187], %swap3A_190 {strides = array<i32>} : memref<128x64xf32, #tpu.memory_space<vmem>>, vector<1x16xf32>,
      %broadcast_in_dim3A_191 = arith.constant 0.000000e+00 : f32
      %broadcast_in_dim3A_192 = vector.broadcast %broadcast_in_dim3A_191 : f32 to vector<16xf32>
      %swap3A_193 = arith.index_cast %scan3A_183 : i32 to index
      %swap3A_194 = arith.constant 16 : index
      %swap3A_195 = tpu.vector_load %arg8[%swap3A_193, %swap3A_194] {strides = array<i32>} : memref<128x64xf32, #tpu.memory_space<vmem>>, vector<1x16xf32>,
      %swap3A_196 = vector.shape_cast %swap3A_195 : vector<1x16xf32> to vector<16xf32>
      %swap3A_197 = vector.shape_cast %broadcast_in_dim3A_192 : vector<16xf32> to vector<1x16xf32>
      tpu.vector_store %arg8[%swap3A_193, %swap3A_194], %swap3A_197 {strides = array<i32>} : memref<128x64xf32, #tpu.memory_space<vmem>>, vector<1x16xf32>,
      %broadcast_in_dim3A_198 = arith.constant 0.000000e+00 : f32
      %broadcast_in_dim3A_199 = vector.broadcast %broadcast_in_dim3A_198 : f32 to vector<16xf32>
      %swap3A_200 = arith.index_cast %scan3A_183 : i32 to index
      %swap3A_201 = arith.constant 32 : index
      %swap3A_202 = tpu.vector_load %arg8[%swap3A_200, %swap3A_201] {strides = array<i32>} : memref<128x64xf32, #tpu.memory_space<vmem>>, vector<1x16xf32>,
      %swap3A_203 = vector.shape_cast %swap3A_202 : vector<1x16xf32> to vector<16xf32>
      %swap3A_204 = vector.shape_cast %broadcast_in_dim3A_199 : vector<16xf32> to vector<1x16xf32>
      tpu.vector_store %arg8[%swap3A_200, %swap3A_201], %swap3A_204 {strides = array<i32>} : memref<128x64xf32, #tpu.memory_space<vmem>>, vector<1x16xf32>,
      %broadcast_in_dim3A_205 = arith.constant 0.000000e+00 : f32
      %broadcast_in_dim3A_206 = vector.broadcast %broadcast_in_dim3A_205 : f32 to vector<16xf32>
      %swap3A_207 = arith.index_cast %scan3A_183 : i32 to index
      %swap3A_208 = arith.constant 48 : index
      %swap3A_209 = tpu.vector_load %arg8[%swap3A_207, %swap3A_208] {strides = array<i32>} : memref<128x64xf32, #tpu.memory_space<vmem>>, vector<1x16xf32>,
      %swap3A_210 = vector.shape_cast %swap3A_209 : vector<1x16xf32> to vector<16xf32>
      %swap3A_211 = vector.shape_cast %broadcast_in_dim3A_206 : vector<16xf32> to vector<1x16xf32>
      tpu.vector_store %arg8[%swap3A_207, %swap3A_208], %swap3A_211 {strides = array<i32>} : memref<128x64xf32, #tpu.memory_space<vmem>>, vector<1x16xf32>,
      %scan3A_212 = arith.constant 0 : i32
      %scan3A_213 = arith.constant 6 : i32
      %scan3A_214 = arith.addi %scan3A_29, %scan3A_213 : i32
      %broadcast_in_dim3A_215 = arith.constant 0.000000e+00 : f32
      %broadcast_in_dim3A_216 = vector.broadcast %broadcast_in_dim3A_215 : f32 to vector<16xf32>
      %swap3A_217 = arith.index_cast %scan3A_214 : i32 to index
      %swap3A_218 = arith.constant 0 : index
      %swap3A_219 = tpu.vector_load %arg8[%swap3A_217, %swap3A_218] {strides = array<i32>} : memref<128x64xf32, #tpu.memory_space<vmem>>, vector<1x16xf32>,
      %swap3A_220 = vector.shape_cast %swap3A_219 : vector<1x16xf32> to vector<16xf32>
      %swap3A_221 = vector.shape_cast %broadcast_in_dim3A_216 : vector<16xf32> to vector<1x16xf32>
      tpu.vector_store %arg8[%swap3A_217, %swap3A_218], %swap3A_221 {strides = array<i32>} : memref<128x64xf32, #tpu.memory_space<vmem>>, vector<1x16xf32>,
      %broadcast_in_dim3A_222 = arith.constant 0.000000e+00 : f32
      %broadcast_in_dim3A_223 = vector.broadcast %broadcast_in_dim3A_222 : f32 to vector<16xf32>
      %swap3A_224 = arith.index_cast %scan3A_214 : i32 to index
      %swap3A_225 = arith.constant 16 : index
      %swap3A_226 = tpu.vector_load %arg8[%swap3A_224, %swap3A_225] {strides = array<i32>} : memref<128x64xf32, #tpu.memory_space<vmem>>, vector<1x16xf32>,
      %swap3A_227 = vector.shape_cast %swap3A_226 : vector<1x16xf32> to vector<16xf32>
      %swap3A_228 = vector.shape_cast %broadcast_in_dim3A_223 : vector<16xf32> to vector<1x16xf32>
      tpu.vector_store %arg8[%swap3A_224, %swap3A_225], %swap3A_228 {strides = array<i32>} : memref<128x64xf32, #tpu.memory_space<vmem>>, vector<1x16xf32>,
      %broadcast_in_dim3A_229 = arith.constant 0.000000e+00 : f32
      %broadcast_in_dim3A_230 = vector.broadcast %broadcast_in_dim3A_229 : f32 to vector<16xf32>
      %swap3A_231 = arith.index_cast %scan3A_214 : i32 to index
      %swap3A_232 = arith.constant 32 : index
      %swap3A_233 = tpu.vector_load %arg8[%swap3A_231, %swap3A_232] {strides = array<i32>} : memref<128x64xf32, #tpu.memory_space<vmem>>, vector<1x16xf32>,
      %swap3A_234 = vector.shape_cast %swap3A_233 : vector<1x16xf32> to vector<16xf32>
      %swap3A_235 = vector.shape_cast %broadcast_in_dim3A_230 : vector<16xf32> to vector<1x16xf32>
      tpu.vector_store %arg8[%swap3A_231, %swap3A_232], %swap3A_235 {strides = array<i32>} : memref<128x64xf32, #tpu.memory_space<vmem>>, vector<1x16xf32>,
      %broadcast_in_dim3A_236 = arith.constant 0.000000e+00 : f32
      %broadcast_in_dim3A_237 = vector.broadcast %broadcast_in_dim3A_236 : f32 to vector<16xf32>
      %swap3A_238 = arith.index_cast %scan3A_214 : i32 to index
      %swap3A_239 = arith.constant 48 : index
      %swap3A_240 = tpu.vector_load %arg8[%swap3A_238, %swap3A_239] {strides = array<i32>} : memref<128x64xf32, #tpu.memory_space<vmem>>, vector<1x16xf32>,
      %swap3A_241 = vector.shape_cast %swap3A_240 : vector<1x16xf32> to vector<16xf32>
      %swap3A_242 = vector.shape_cast %broadcast_in_dim3A_237 : vector<16xf32> to vector<1x16xf32>
      tpu.vector_store %arg8[%swap3A_238, %swap3A_239], %swap3A_242 {strides = array<i32>} : memref<128x64xf32, #tpu.memory_space<vmem>>, vector<1x16xf32>,
      %scan3A_243 = arith.constant 0 : i32
      %scan3A_244 = arith.constant 7 : i32
      %scan3A_245 = arith.addi %scan3A_29, %scan3A_244 : i32
      %broadcast_in_dim3A_246 = arith.constant 0.000000e+00 : f32
      %broadcast_in_dim3A_247 = vector.broadcast %broadcast_in_dim3A_246 : f32 to vector<16xf32>
      %swap3A_248 = arith.index_cast %scan3A_245 : i32 to index
      %swap3A_249 = arith.constant 0 : index
      %swap3A_250 = tpu.vector_load %arg8[%swap3A_248, %swap3A_249] {strides = array<i32>} : memref<128x64xf32, #tpu.memory_space<vmem>>, vector<1x16xf32>,
      %swap3A_251 = vector.shape_cast %swap3A_250 : vector<1x16xf32> to vector<16xf32>
      %swap3A_252 = vector.shape_cast %broadcast_in_dim3A_247 : vector<16xf32> to vector<1x16xf32>
      tpu.vector_store %arg8[%swap3A_248, %swap3A_249], %swap3A_252 {strides = array<i32>} : memref<128x64xf32, #tpu.memory_space<vmem>>, vector<1x16xf32>,
      %broadcast_in_dim3A_253 = arith.constant 0.000000e+00 : f32
      %broadcast_in_dim3A_254 = vector.broadcast %broadcast_in_dim3A_253 : f32 to vector<16xf32>
      %swap3A_255 = arith.index_cast %scan3A_245 : i32 to index
      %swap3A_256 = arith.constant 16 : index
      %swap3A_257 = tpu.vector_load %arg8[%swap3A_255, %swap3A_256] {strides = array<i32>} : memref<128x64xf32, #tpu.memory_space<vmem>>, vector<1x16xf32>,
      %swap3A_258 = vector.shape_cast %swap3A_257 : vector<1x16xf32> to vector<16xf32>
      %swap3A_259 = vector.shape_cast %broadcast_in_dim3A_254 : vector<16xf32> to vector<1x16xf32>
      tpu.vector_store %arg8[%swap3A_255, %swap3A_256], %swap3A_259 {strides = array<i32>} : memref<128x64xf32, #tpu.memory_space<vmem>>, vector<1x16xf32>,
      %broadcast_in_dim3A_260 = arith.constant 0.000000e+00 : f32
      %broadcast_in_dim3A_261 = vector.broadcast %broadcast_in_dim3A_260 : f32 to vector<16xf32>
      %swap3A_262 = arith.index_cast %scan3A_245 : i32 to index
      %swap3A_263 = arith.constant 32 : index
      %swap3A_264 = tpu.vector_load %arg8[%swap3A_262, %swap3A_263] {strides = array<i32>} : memref<128x64xf32, #tpu.memory_space<vmem>>, vector<1x16xf32>,
      %swap3A_265 = vector.shape_cast %swap3A_264 : vector<1x16xf32> to vector<16xf32>
      %swap3A_266 = vector.shape_cast %broadcast_in_dim3A_261 : vector<16xf32> to vector<1x16xf32>
      tpu.vector_store %arg8[%swap3A_262, %swap3A_263], %swap3A_266 {strides = array<i32>} : memref<128x64xf32, #tpu.memory_space<vmem>>, vector<1x16xf32>,
      %broadcast_in_dim3A_267 = arith.constant 0.000000e+00 : f32
      %broadcast_in_dim3A_268 = vector.broadcast %broadcast_in_dim3A_267 : f32 to vector<16xf32>
      %swap3A_269 = arith.index_cast %scan3A_245 : i32 to index
      %swap3A_270 = arith.constant 48 : index
      %swap3A_271 = tpu.vector_load %arg8[%swap3A_269, %swap3A_270] {strides = array<i32>} : memref<128x64xf32, #tpu.memory_space<vmem>>, vector<1x16xf32>,
      %swap3A_272 = vector.shape_cast %swap3A_271 : vector<1x16xf32> to vector<16xf32>
      %swap3A_273 = vector.shape_cast %broadcast_in_dim3A_268 : vector<16xf32> to vector<1x16xf32>
      tpu.vector_store %arg8[%swap3A_269, %swap3A_270], %swap3A_273 {strides = array<i32>} : memref<128x64xf32, #tpu.memory_space<vmem>>, vector<1x16xf32>,
      %scan3A_274 = arith.constant 0 : i32
      scf.yield %scan3A_274 : i32
    }
    %scan3A_21 = arith.constant 128 : i32
    %scan3A_22 = arith.constant 0 : i32
    %scan3A_23 = arith.constant 0 : i32
    %scan3A_24 = arith.constant 100 : i32
    %scan3A_25 = arith.addi %scan3A_23, %scan3A_24 : i32
    %scan3A_26 = arith.constant 1 : i32
    %scan3A_27 = scf.for %scan3A_29 = %scan3A_23 to %scan3A_25 step %scan3A_26 iter_args(%scan3A_30 = %scan3A_22) -> (i32)  : i32 {
      %mul3A_31 = arith.constant 2 : i32
      %mul3A_32 = arith.muli %mul3A_31, %scan3A_29 : i32
      %dma_wait3A = arith.constant 0 : i32
      %dma_wait3A_33 = tpu.memref_slice %arg5[%mul3A_32, %dma_wait3A] : memref<200x128xi32, #tpu.memory_space<vmem>> -> memref<1x128xi32, #tpu.memory_space<vmem>>
      %dma_wait3A_34 = tpu.memref_squeeze %dma_wait3A_33 : memref<1x128xi32, #tpu.memory_space<vmem>> -> memref<128xi32, #tpu.memory_space<vmem>>
      %dma_wait3A_35 = arith.constant 0 : i32
      %dma_wait3A_36 = arith.constant 0 : i32
      %dma_wait3A_37 = tpu.memref_slice %arg2[%dma_wait3A_35, %dma_wait3A_36] : memref<1000000x64xf32, #tpu.memory_space<hbm>> -> memref<1000000x64xf32, #tpu.memory_space<hbm>>
      tpu.wait_indirect_dma semaphore(%arg9 : memref<!tpu.dma_semaphore, #tpu.memory_space<semaphore_mem>>) src(%dma_wait3A_37 : memref<1000000x64xf32, #tpu.memory_space<hbm>>) dst(%arg6 : memref<128x64xf32, #tpu.memory_space<vmem>>)
      %scan3A_38 = arith.constant 0 : i32
      %scan3A_39 = arith.constant 0 : i32
      %scan3A_40 = arith.constant 128 : i32
      %scan3A_41 = arith.addi %scan3A_39, %scan3A_40 : i32
      %scan3A_42 = arith.constant 8 : i32
      %scan3A_43 = scf.for %scan3A_74 = %scan3A_39 to %scan3A_41 step %scan3A_42 iter_args(%scan3A_75 = %scan3A_38) -> (i32)  : i32 {
        %get3A = arith.index_cast %scan3A_74 : i32 to index
        %get3A_76 = arith.constant 0 : index
        %get3A_77 = tpu.vector_load %arg6[%get3A, %get3A_76] {strides = array<i32>} : memref<128x64xf32, #tpu.memory_space<vmem>>, vector<1x16xf32>,
        %get3A_78 = vector.shape_cast %get3A_77 : vector<1x16xf32> to vector<16xf32>
        %swap3A = arith.index_cast %scan3A_74 : i32 to index
        %swap3A_79 = arith.constant 0 : index
        %swap3A_80 = tpu.vector_load %arg8[%swap3A, %swap3A_79] {strides = array<i32>} : memref<128x64xf32, #tpu.memory_space<vmem>>, vector<1x16xf32>,
        %swap3A_81 = vector.shape_cast %swap3A_80 : vector<1x16xf32> to vector<16xf32>
        %swap3A_82 = vector.shape_cast %get3A_78 : vector<16xf32> to vector<1x16xf32>
        tpu.vector_store %arg8[%swap3A, %swap3A_79], %swap3A_82 {add = true, strides = array<i32>} : memref<128x64xf32, #tpu.memory_space<vmem>>, vector<1x16xf32>,
        %get3A_83 = arith.index_cast %scan3A_74 : i32 to index
        %get3A_84 = arith.constant 16 : index
        %get3A_85 = tpu.vector_load %arg6[%get3A_83, %get3A_84] {strides = array<i32>} : memref<128x64xf32, #tpu.memory_space<vmem>>, vector<1x16xf32>,
        %get3A_86 = vector.shape_cast %get3A_85 : vector<1x16xf32> to vector<16xf32>
        %swap3A_87 = arith.index_cast %scan3A_74 : i32 to index
        %swap3A_88 = arith.constant 16 : index
        %swap3A_89 = tpu.vector_load %arg8[%swap3A_87, %swap3A_88] {strides = array<i32>} : memref<128x64xf32, #tpu.memory_space<vmem>>, vector<1x16xf32>,
        %swap3A_90 = vector.shape_cast %swap3A_89 : vector<1x16xf32> to vector<16xf32>
        %swap3A_91 = vector.shape_cast %get3A_86 : vector<16xf32> to vector<1x16xf32>
        tpu.vector_store %arg8[%swap3A_87, %swap3A_88], %swap3A_91 {add = true, strides = array<i32>} : memref<128x64xf32, #tpu.memory_space<vmem>>, vector<1x16xf32>,
        %get3A_92 = arith.index_cast %scan3A_74 : i32 to index
        %get3A_93 = arith.constant 32 : index
        %get3A_94 = tpu.vector_load %arg6[%get3A_92, %get3A_93] {strides = array<i32>} : memref<128x64xf32, #tpu.memory_space<vmem>>, vector<1x16xf32>,
        %get3A_95 = vector.shape_cast %get3A_94 : vector<1x16xf32> to vector<16xf32>
        %swap3A_96 = arith.index_cast %scan3A_74 : i32 to index
        %swap3A_97 = arith.constant 32 : index
        %swap3A_98 = tpu.vector_load %arg8[%swap3A_96, %swap3A_97] {strides = array<i32>} : memref<128x64xf32, #tpu.memory_space<vmem>>, vector<1x16xf32>,
        %swap3A_99 = vector.shape_cast %swap3A_98 : vector<1x16xf32> to vector<16xf32>
        %swap3A_100 = vector.shape_cast %get3A_95 : vector<16xf32> to vector<1x16xf32>
        tpu.vector_store %arg8[%swap3A_96, %swap3A_97], %swap3A_100 {add = true, strides = array<i32>} : memref<128x64xf32, #tpu.memory_space<vmem>>, vector<1x16xf32>,
        %get3A_101 = arith.index_cast %scan3A_74 : i32 to index
        %get3A_102 = arith.constant 48 : index
        %get3A_103 = tpu.vector_load %arg6[%get3A_101, %get3A_102] {strides = array<i32>} : memref<128x64xf32, #tpu.memory_space<vmem>>, vector<1x16xf32>,
        %get3A_104 = vector.shape_cast %get3A_103 : vector<1x16xf32> to vector<16xf32>
        %swap3A_105 = arith.index_cast %scan3A_74 : i32 to index
        %swap3A_106 = arith.constant 48 : index
        %swap3A_107 = tpu.vector_load %arg8[%swap3A_105, %swap3A_106] {strides = array<i32>} : memref<128x64xf32, #tpu.memory_space<vmem>>, vector<1x16xf32>,
        %swap3A_108 = vector.shape_cast %swap3A_107 : vector<1x16xf32> to vector<16xf32>
        %swap3A_109 = vector.shape_cast %get3A_104 : vector<16xf32> to vector<1x16xf32>
        tpu.vector_store %arg8[%swap3A_105, %swap3A_106], %swap3A_109 {add = true, strides = array<i32>} : memref<128x64xf32, #tpu.memory_space<vmem>>, vector<1x16xf32>,
        %scan3A_110 = arith.constant 0 : i32
        %scan3A_111 = arith.constant 1 : i32
        %scan3A_112 = arith.addi %scan3A_74, %scan3A_111 : i32
        %get3A_113 = arith.index_cast %scan3A_112 : i32 to index
        %get3A_114 = arith.constant 0 : index
        %get3A_115 = tpu.vector_load %arg6[%get3A_113, %get3A_114] {strides = array<i32>} : memref<128x64xf32, #tpu.memory_space<vmem>>, vector<1x16xf32>,
        %get3A_116 = vector.shape_cast %get3A_115 : vector<1x16xf32> to vector<16xf32>
        %swap3A_117 = arith.index_cast %scan3A_112 : i32 to index
        %swap3A_118 = arith.constant 0 : index
        %swap3A_119 = tpu.vector_load %arg8[%swap3A_117, %swap3A_118] {strides = array<i32>} : memref<128x64xf32, #tpu.memory_space<vmem>>, vector<1x16xf32>,
        %swap3A_120 = vector.shape_cast %swap3A_119 : vector<1x16xf32> to vector<16xf32>
        %swap3A_121 = vector.shape_cast %get3A_116 : vector<16xf32> to vector<1x16xf32>
        tpu.vector_store %arg8[%swap3A_117, %swap3A_118], %swap3A_121 {add = true, strides = array<i32>} : memref<128x64xf32, #tpu.memory_space<vmem>>, vector<1x16xf32>,
        %get3A_122 = arith.index_cast %scan3A_112 : i32 to index
        %get3A_123 = arith.constant 16 : index
        %get3A_124 = tpu.vector_load %arg6[%get3A_122, %get3A_123] {strides = array<i32>} : memref<128x64xf32, #tpu.memory_space<vmem>>, vector<1x16xf32>,
        %get3A_125 = vector.shape_cast %get3A_124 : vector<1x16xf32> to vector<16xf32>
        %swap3A_126 = arith.index_cast %scan3A_112 : i32 to index
        %swap3A_127 = arith.constant 16 : index
        %swap3A_128 = tpu.vector_load %arg8[%swap3A_126, %swap3A_127] {strides = array<i32>} : memref<128x64xf32, #tpu.memory_space<vmem>>, vector<1x16xf32>,
        %swap3A_129 = vector.shape_cast %swap3A_128 : vector<1x16xf32> to vector<16xf32>
        %swap3A_130 = vector.shape_cast %get3A_125 : vector<16xf32> to vector<1x16xf32>
        tpu.vector_store %arg8[%swap3A_126, %swap3A_127], %swap3A_130 {add = true, strides = array<i32>} : memref<128x64xf32, #tpu.memory_space<vmem>>, vector<1x16xf32>,
        %get3A_131 = arith.index_cast %scan3A_112 : i32 to index
        %get3A_132 = arith.constant 32 : index
        %get3A_133 = tpu.vector_load %arg6[%get3A_131, %get3A_132] {strides = array<i32>} : memref<128x64xf32, #tpu.memory_space<vmem>>, vector<1x16xf32>,
        %get3A_134 = vector.shape_cast %get3A_133 : vector<1x16xf32> to vector<16xf32>
        %swap3A_135 = arith.index_cast %scan3A_112 : i32 to index
        %swap3A_136 = arith.constant 32 : index
        %swap3A_137 = tpu.vector_load %arg8[%swap3A_135, %swap3A_136] {strides = array<i32>} : memref<128x64xf32, #tpu.memory_space<vmem>>, vector<1x16xf32>,
        %swap3A_138 = vector.shape_cast %swap3A_137 : vector<1x16xf32> to vector<16xf32>
        %swap3A_139 = vector.shape_cast %get3A_134 : vector<16xf32> to vector<1x16xf32>
        tpu.vector_store %arg8[%swap3A_135, %swap3A_136], %swap3A_139 {add = true, strides = array<i32>} : memref<128x64xf32, #tpu.memory_space<vmem>>, vector<1x16xf32>,
        %get3A_140 = arith.index_cast %scan3A_112 : i32 to index
        %get3A_141 = arith.constant 48 : index
        %get3A_142 = tpu.vector_load %arg6[%get3A_140, %get3A_141] {strides = array<i32>} : memref<128x64xf32, #tpu.memory_space<vmem>>, vector<1x16xf32>,
        %get3A_143 = vector.shape_cast %get3A_142 : vector<1x16xf32> to vector<16xf32>
        %swap3A_144 = arith.index_cast %scan3A_112 : i32 to index
        %swap3A_145 = arith.constant 48 : index
        %swap3A_146 = tpu.vector_load %arg8[%swap3A_144, %swap3A_145] {strides = array<i32>} : memref<128x64xf32, #tpu.memory_space<vmem>>, vector<1x16xf32>,
        %swap3A_147 = vector.shape_cast %swap3A_146 : vector<1x16xf32> to vector<16xf32>
        %swap3A_148 = vector.shape_cast %get3A_143 : vector<16xf32> to vector<1x16xf32>
        tpu.vector_store %arg8[%swap3A_144, %swap3A_145], %swap3A_148 {add = true, strides = array<i32>} : memref<128x64xf32, #tpu.memory_space<vmem>>, vector<1x16xf32>,
        %scan3A_149 = arith.constant 0 : i32
        %scan3A_150 = arith.constant 2 : i32
        %scan3A_151 = arith.addi %scan3A_74, %scan3A_150 : i32
        %get3A_152 = arith.index_cast %scan3A_151 : i32 to index
        %get3A_153 = arith.constant 0 : index
        %get3A_154 = tpu.vector_load %arg6[%get3A_152, %get3A_153] {strides = array<i32>} : memref<128x64xf32, #tpu.memory_space<vmem>>, vector<1x16xf32>,
        %get3A_155 = vector.shape_cast %get3A_154 : vector<1x16xf32> to vector<16xf32>
        %swap3A_156 = arith.index_cast %scan3A_151 : i32 to index
        %swap3A_157 = arith.constant 0 : index
        %swap3A_158 = tpu.vector_load %arg8[%swap3A_156, %swap3A_157] {strides = array<i32>} : memref<128x64xf32, #tpu.memory_space<vmem>>, vector<1x16xf32>,
        %swap3A_159 = vector.shape_cast %swap3A_158 : vector<1x16xf32> to vector<16xf32>
        %swap3A_160 = vector.shape_cast %get3A_155 : vector<16xf32> to vector<1x16xf32>
        tpu.vector_store %arg8[%swap3A_156, %swap3A_157], %swap3A_160 {add = true, strides = array<i32>} : memref<128x64xf32, #tpu.memory_space<vmem>>, vector<1x16xf32>,
        %get3A_161 = arith.index_cast %scan3A_151 : i32 to index
        %get3A_162 = arith.constant 16 : index
        %get3A_163 = tpu.vector_load %arg6[%get3A_161, %get3A_162] {strides = array<i32>} : memref<128x64xf32, #tpu.memory_space<vmem>>, vector<1x16xf32>,
        %get3A_164 = vector.shape_cast %get3A_163 : vector<1x16xf32> to vector<16xf32>
        %swap3A_165 = arith.index_cast %scan3A_151 : i32 to index
        %swap3A_166 = arith.constant 16 : index
        %swap3A_167 = tpu.vector_load %arg8[%swap3A_165, %swap3A_166] {strides = array<i32>} : memref<128x64xf32, #tpu.memory_space<vmem>>, vector<1x16xf32>,
        %swap3A_168 = vector.shape_cast %swap3A_167 : vector<1x16xf32> to vector<16xf32>
        %swap3A_169 = vector.shape_cast %get3A_164 : vector<16xf32> to vector<1x16xf32>
        tpu.vector_store %arg8[%swap3A_165, %swap3A_166], %swap3A_169 {add = true, strides = array<i32>} : memref<128x64xf32, #tpu.memory_space<vmem>>, vector<1x16xf32>,
        %get3A_170 = arith.index_cast %scan3A_151 : i32 to index
        %get3A_171 = arith.constant 32 : index
        %get3A_172 = tpu.vector_load %arg6[%get3A_170, %get3A_171] {strides = array<i32>} : memref<128x64xf32, #tpu.memory_space<vmem>>, vector<1x16xf32>,
        %get3A_173 = vector.shape_cast %get3A_172 : vector<1x16xf32> to vector<16xf32>
        %swap3A_174 = arith.index_cast %scan3A_151 : i32 to index
        %swap3A_175 = arith.constant 32 : index
        %swap3A_176 = tpu.vector_load %arg8[%swap3A_174, %swap3A_175] {strides = array<i32>} : memref<128x64xf32, #tpu.memory_space<vmem>>, vector<1x16xf32>,
        %swap3A_177 = vector.shape_cast %swap3A_176 : vector<1x16xf32> to vector<16xf32>
        %swap3A_178 = vector.shape_cast %get3A_173 : vector<16xf32> to vector<1x16xf32>
        tpu.vector_store %arg8[%swap3A_174, %swap3A_175], %swap3A_178 {add = true, strides = array<i32>} : memref<128x64xf32, #tpu.memory_space<vmem>>, vector<1x16xf32>,
        %get3A_179 = arith.index_cast %scan3A_151 : i32 to index
        %get3A_180 = arith.constant 48 : index
        %get3A_181 = tpu.vector_load %arg6[%get3A_179, %get3A_180] {strides = array<i32>} : memref<128x64xf32, #tpu.memory_space<vmem>>, vector<1x16xf32>,
        %get3A_182 = vector.shape_cast %get3A_181 : vector<1x16xf32> to vector<16xf32>
        %swap3A_183 = arith.index_cast %scan3A_151 : i32 to index
        %swap3A_184 = arith.constant 48 : index
        %swap3A_185 = tpu.vector_load %arg8[%swap3A_183, %swap3A_184] {strides = array<i32>} : memref<128x64xf32, #tpu.memory_space<vmem>>, vector<1x16xf32>,
        %swap3A_186 = vector.shape_cast %swap3A_185 : vector<1x16xf32> to vector<16xf32>
        %swap3A_187 = vector.shape_cast %get3A_182 : vector<16xf32> to vector<1x16xf32>
        tpu.vector_store %arg8[%swap3A_183, %swap3A_184], %swap3A_187 {add = true, strides = array<i32>} : memref<128x64xf32, #tpu.memory_space<vmem>>, vector<1x16xf32>,
        %scan3A_188 = arith.constant 0 : i32
        %scan3A_189 = arith.constant 3 : i32
        %scan3A_190 = arith.addi %scan3A_74, %scan3A_189 : i32
        %get3A_191 = arith.index_cast %scan3A_190 : i32 to index
        %get3A_192 = arith.constant 0 : index
        %get3A_193 = tpu.vector_load %arg6[%get3A_191, %get3A_192] {strides = array<i32>} : memref<128x64xf32, #tpu.memory_space<vmem>>, vector<1x16xf32>,
        %get3A_194 = vector.shape_cast %get3A_193 : vector<1x16xf32> to vector<16xf32>
        %swap3A_195 = arith.index_cast %scan3A_190 : i32 to index
        %swap3A_196 = arith.constant 0 : index
        %swap3A_197 = tpu.vector_load %arg8[%swap3A_195, %swap3A_196] {strides = array<i32>} : memref<128x64xf32, #tpu.memory_space<vmem>>, vector<1x16xf32>,
        %swap3A_198 = vector.shape_cast %swap3A_197 : vector<1x16xf32> to vector<16xf32>
        %swap3A_199 = vector.shape_cast %get3A_194 : vector<16xf32> to vector<1x16xf32>
        tpu.vector_store %arg8[%swap3A_195, %swap3A_196], %swap3A_199 {add = true, strides = array<i32>} : memref<128x64xf32, #tpu.memory_space<vmem>>, vector<1x16xf32>,
        %get3A_200 = arith.index_cast %scan3A_190 : i32 to index
        %get3A_201 = arith.constant 16 : index
        %get3A_202 = tpu.vector_load %arg6[%get3A_200, %get3A_201] {strides = array<i32>} : memref<128x64xf32, #tpu.memory_space<vmem>>, vector<1x16xf32>,
        %get3A_203 = vector.shape_cast %get3A_202 : vector<1x16xf32> to vector<16xf32>
        %swap3A_204 = arith.index_cast %scan3A_190 : i32 to index
        %swap3A_205 = arith.constant 16 : index
        %swap3A_206 = tpu.vector_load %arg8[%swap3A_204, %swap3A_205] {strides = array<i32>} : memref<128x64xf32, #tpu.memory_space<vmem>>, vector<1x16xf32>,
        %swap3A_207 = vector.shape_cast %swap3A_206 : vector<1x16xf32> to vector<16xf32>
        %swap3A_208 = vector.shape_cast %get3A_203 : vector<16xf32> to vector<1x16xf32>
        tpu.vector_store %arg8[%swap3A_204, %swap3A_205], %swap3A_208 {add = true, strides = array<i32>} : memref<128x64xf32, #tpu.memory_space<vmem>>, vector<1x16xf32>,
        %get3A_209 = arith.index_cast %scan3A_190 : i32 to index
        %get3A_210 = arith.constant 32 : index
        %get3A_211 = tpu.vector_load %arg6[%get3A_209, %get3A_210] {strides = array<i32>} : memref<128x64xf32, #tpu.memory_space<vmem>>, vector<1x16xf32>,
        %get3A_212 = vector.shape_cast %get3A_211 : vector<1x16xf32> to vector<16xf32>
        %swap3A_213 = arith.index_cast %scan3A_190 : i32 to index
        %swap3A_214 = arith.constant 32 : index
        %swap3A_215 = tpu.vector_load %arg8[%swap3A_213, %swap3A_214] {strides = array<i32>} : memref<128x64xf32, #tpu.memory_space<vmem>>, vector<1x16xf32>,
        %swap3A_216 = vector.shape_cast %swap3A_215 : vector<1x16xf32> to vector<16xf32>
        %swap3A_217 = vector.shape_cast %get3A_212 : vector<16xf32> to vector<1x16xf32>
        tpu.vector_store %arg8[%swap3A_213, %swap3A_214], %swap3A_217 {add = true, strides = array<i32>} : memref<128x64xf32, #tpu.memory_space<vmem>>, vector<1x16xf32>,
        %get3A_218 = arith.index_cast %scan3A_190 : i32 to index
        %get3A_219 = arith.constant 48 : index
        %get3A_220 = tpu.vector_load %arg6[%get3A_218, %get3A_219] {strides = array<i32>} : memref<128x64xf32, #tpu.memory_space<vmem>>, vector<1x16xf32>,
        %get3A_221 = vector.shape_cast %get3A_220 : vector<1x16xf32> to vector<16xf32>
        %swap3A_222 = arith.index_cast %scan3A_190 : i32 to index
        %swap3A_223 = arith.constant 48 : index
        %swap3A_224 = tpu.vector_load %arg8[%swap3A_222, %swap3A_223] {strides = array<i32>} : memref<128x64xf32, #tpu.memory_space<vmem>>, vector<1x16xf32>,
        %swap3A_225 = vector.shape_cast %swap3A_224 : vector<1x16xf32> to vector<16xf32>
        %swap3A_226 = vector.shape_cast %get3A_221 : vector<16xf32> to vector<1x16xf32>
        tpu.vector_store %arg8[%swap3A_222, %swap3A_223], %swap3A_226 {add = true, strides = array<i32>} : memref<128x64xf32, #tpu.memory_space<vmem>>, vector<1x16xf32>,
        %scan3A_227 = arith.constant 0 : i32
        %scan3A_228 = arith.constant 4 : i32
        %scan3A_229 = arith.addi %scan3A_74, %scan3A_228 : i32
        %get3A_230 = arith.index_cast %scan3A_229 : i32 to index
        %get3A_231 = arith.constant 0 : index
        %get3A_232 = tpu.vector_load %arg6[%get3A_230, %get3A_231] {strides = array<i32>} : memref<128x64xf32, #tpu.memory_space<vmem>>, vector<1x16xf32>,
        %get3A_233 = vector.shape_cast %get3A_232 : vector<1x16xf32> to vector<16xf32>
        %swap3A_234 = arith.index_cast %scan3A_229 : i32 to index
        %swap3A_235 = arith.constant 0 : index
        %swap3A_236 = tpu.vector_load %arg8[%swap3A_234, %swap3A_235] {strides = array<i32>} : memref<128x64xf32, #tpu.memory_space<vmem>>, vector<1x16xf32>,
        %swap3A_237 = vector.shape_cast %swap3A_236 : vector<1x16xf32> to vector<16xf32>
        %swap3A_238 = vector.shape_cast %get3A_233 : vector<16xf32> to vector<1x16xf32>
        tpu.vector_store %arg8[%swap3A_234, %swap3A_235], %swap3A_238 {add = true, strides = array<i32>} : memref<128x64xf32, #tpu.memory_space<vmem>>, vector<1x16xf32>,
        %get3A_239 = arith.index_cast %scan3A_229 : i32 to index
        %get3A_240 = arith.constant 16 : index
        %get3A_241 = tpu.vector_load %arg6[%get3A_239, %get3A_240] {strides = array<i32>} : memref<128x64xf32, #tpu.memory_space<vmem>>, vector<1x16xf32>,
        %get3A_242 = vector.shape_cast %get3A_241 : vector<1x16xf32> to vector<16xf32>
        %swap3A_243 = arith.index_cast %scan3A_229 : i32 to index
        %swap3A_244 = arith.constant 16 : index
        %swap3A_245 = tpu.vector_load %arg8[%swap3A_243, %swap3A_244] {strides = array<i32>} : memref<128x64xf32, #tpu.memory_space<vmem>>, vector<1x16xf32>,
        %swap3A_246 = vector.shape_cast %swap3A_245 : vector<1x16xf32> to vector<16xf32>
        %swap3A_247 = vector.shape_cast %get3A_242 : vector<16xf32> to vector<1x16xf32>
        tpu.vector_store %arg8[%swap3A_243, %swap3A_244], %swap3A_247 {add = true, strides = array<i32>} : memref<128x64xf32, #tpu.memory_space<vmem>>, vector<1x16xf32>,
        %get3A_248 = arith.index_cast %scan3A_229 : i32 to index
        %get3A_249 = arith.constant 32 : index
        %get3A_250 = tpu.vector_load %arg6[%get3A_248, %get3A_249] {strides = array<i32>} : memref<128x64xf32, #tpu.memory_space<vmem>>, vector<1x16xf32>,
        %get3A_251 = vector.shape_cast %get3A_250 : vector<1x16xf32> to vector<16xf32>
        %swap3A_252 = arith.index_cast %scan3A_229 : i32 to index
        %swap3A_253 = arith.constant 32 : index
        %swap3A_254 = tpu.vector_load %arg8[%swap3A_252, %swap3A_253] {strides = array<i32>} : memref<128x64xf32, #tpu.memory_space<vmem>>, vector<1x16xf32>,
        %swap3A_255 = vector.shape_cast %swap3A_254 : vector<1x16xf32> to vector<16xf32>
        %swap3A_256 = vector.shape_cast %get3A_251 : vector<16xf32> to vector<1x16xf32>
        tpu.vector_store %arg8[%swap3A_252, %swap3A_253], %swap3A_256 {add = true, strides = array<i32>} : memref<128x64xf32, #tpu.memory_space<vmem>>, vector<1x16xf32>,
        %get3A_257 = arith.index_cast %scan3A_229 : i32 to index
        %get3A_258 = arith.constant 48 : index
        %get3A_259 = tpu.vector_load %arg6[%get3A_257, %get3A_258] {strides = array<i32>} : memref<128x64xf32, #tpu.memory_space<vmem>>, vector<1x16xf32>,
        %get3A_260 = vector.shape_cast %get3A_259 : vector<1x16xf32> to vector<16xf32>
        %swap3A_261 = arith.index_cast %scan3A_229 : i32 to index
        %swap3A_262 = arith.constant 48 : index
        %swap3A_263 = tpu.vector_load %arg8[%swap3A_261, %swap3A_262] {strides = array<i32>} : memref<128x64xf32, #tpu.memory_space<vmem>>, vector<1x16xf32>,
        %swap3A_264 = vector.shape_cast %swap3A_263 : vector<1x16xf32> to vector<16xf32>
        %swap3A_265 = vector.shape_cast %get3A_260 : vector<16xf32> to vector<1x16xf32>
        tpu.vector_store %arg8[%swap3A_261, %swap3A_262], %swap3A_265 {add = true, strides = array<i32>} : memref<128x64xf32, #tpu.memory_space<vmem>>, vector<1x16xf32>,
        %scan3A_266 = arith.constant 0 : i32
        %scan3A_267 = arith.constant 5 : i32
        %scan3A_268 = arith.addi %scan3A_74, %scan3A_267 : i32
        %get3A_269 = arith.index_cast %scan3A_268 : i32 to index
        %get3A_270 = arith.constant 0 : index
        %get3A_271 = tpu.vector_load %arg6[%get3A_269, %get3A_270] {strides = array<i32>} : memref<128x64xf32, #tpu.memory_space<vmem>>, vector<1x16xf32>,
        %get3A_272 = vector.shape_cast %get3A_271 : vector<1x16xf32> to vector<16xf32>
        %swap3A_273 = arith.index_cast %scan3A_268 : i32 to index
        %swap3A_274 = arith.constant 0 : index
        %swap3A_275 = tpu.vector_load %arg8[%swap3A_273, %swap3A_274] {strides = array<i32>} : memref<128x64xf32, #tpu.memory_space<vmem>>, vector<1x16xf32>,
        %swap3A_276 = vector.shape_cast %swap3A_275 : vector<1x16xf32> to vector<16xf32>
        %swap3A_277 = vector.shape_cast %get3A_272 : vector<16xf32> to vector<1x16xf32>
        tpu.vector_store %arg8[%swap3A_273, %swap3A_274], %swap3A_277 {add = true, strides = array<i32>} : memref<128x64xf32, #tpu.memory_space<vmem>>, vector<1x16xf32>,
        %get3A_278 = arith.index_cast %scan3A_268 : i32 to index
        %get3A_279 = arith.constant 16 : index
        %get3A_280 = tpu.vector_load %arg6[%get3A_278, %get3A_279] {strides = array<i32>} : memref<128x64xf32, #tpu.memory_space<vmem>>, vector<1x16xf32>,
        %get3A_281 = vector.shape_cast %get3A_280 : vector<1x16xf32> to vector<16xf32>
        %swap3A_282 = arith.index_cast %scan3A_268 : i32 to index
        %swap3A_283 = arith.constant 16 : index
        %swap3A_284 = tpu.vector_load %arg8[%swap3A_282, %swap3A_283] {strides = array<i32>} : memref<128x64xf32, #tpu.memory_space<vmem>>, vector<1x16xf32>,
        %swap3A_285 = vector.shape_cast %swap3A_284 : vector<1x16xf32> to vector<16xf32>
        %swap3A_286 = vector.shape_cast %get3A_281 : vector<16xf32> to vector<1x16xf32>
        tpu.vector_store %arg8[%swap3A_282, %swap3A_283], %swap3A_286 {add = true, strides = array<i32>} : memref<128x64xf32, #tpu.memory_space<vmem>>, vector<1x16xf32>,
        %get3A_287 = arith.index_cast %scan3A_268 : i32 to index
        %get3A_288 = arith.constant 32 : index
        %get3A_289 = tpu.vector_load %arg6[%get3A_287, %get3A_288] {strides = array<i32>} : memref<128x64xf32, #tpu.memory_space<vmem>>, vector<1x16xf32>,
        %get3A_290 = vector.shape_cast %get3A_289 : vector<1x16xf32> to vector<16xf32>
        %swap3A_291 = arith.index_cast %scan3A_268 : i32 to index
        %swap3A_292 = arith.constant 32 : index
        %swap3A_293 = tpu.vector_load %arg8[%swap3A_291, %swap3A_292] {strides = array<i32>} : memref<128x64xf32, #tpu.memory_space<vmem>>, vector<1x16xf32>,
        %swap3A_294 = vector.shape_cast %swap3A_293 : vector<1x16xf32> to vector<16xf32>
        %swap3A_295 = vector.shape_cast %get3A_290 : vector<16xf32> to vector<1x16xf32>
        tpu.vector_store %arg8[%swap3A_291, %swap3A_292], %swap3A_295 {add = true, strides = array<i32>} : memref<128x64xf32, #tpu.memory_space<vmem>>, vector<1x16xf32>,
        %get3A_296 = arith.index_cast %scan3A_268 : i32 to index
        %get3A_297 = arith.constant 48 : index
        %get3A_298 = tpu.vector_load %arg6[%get3A_296, %get3A_297] {strides = array<i32>} : memref<128x64xf32, #tpu.memory_space<vmem>>, vector<1x16xf32>,
        %get3A_299 = vector.shape_cast %get3A_298 : vector<1x16xf32> to vector<16xf32>
        %swap3A_300 = arith.index_cast %scan3A_268 : i32 to index
        %swap3A_301 = arith.constant 48 : index
        %swap3A_302 = tpu.vector_load %arg8[%swap3A_300, %swap3A_301] {strides = array<i32>} : memref<128x64xf32, #tpu.memory_space<vmem>>, vector<1x16xf32>,
        %swap3A_303 = vector.shape_cast %swap3A_302 : vector<1x16xf32> to vector<16xf32>
        %swap3A_304 = vector.shape_cast %get3A_299 : vector<16xf32> to vector<1x16xf32>
        tpu.vector_store %arg8[%swap3A_300, %swap3A_301], %swap3A_304 {add = true, strides = array<i32>} : memref<128x64xf32, #tpu.memory_space<vmem>>, vector<1x16xf32>,
        %scan3A_305 = arith.constant 0 : i32
        %scan3A_306 = arith.constant 6 : i32
        %scan3A_307 = arith.addi %scan3A_74, %scan3A_306 : i32
        %get3A_308 = arith.index_cast %scan3A_307 : i32 to index
        %get3A_309 = arith.constant 0 : index
        %get3A_310 = tpu.vector_load %arg6[%get3A_308, %get3A_309] {strides = array<i32>} : memref<128x64xf32, #tpu.memory_space<vmem>>, vector<1x16xf32>,
        %get3A_311 = vector.shape_cast %get3A_310 : vector<1x16xf32> to vector<16xf32>
        %swap3A_312 = arith.index_cast %scan3A_307 : i32 to index
        %swap3A_313 = arith.constant 0 : index
        %swap3A_314 = tpu.vector_load %arg8[%swap3A_312, %swap3A_313] {strides = array<i32>} : memref<128x64xf32, #tpu.memory_space<vmem>>, vector<1x16xf32>,
        %swap3A_315 = vector.shape_cast %swap3A_314 : vector<1x16xf32> to vector<16xf32>
        %swap3A_316 = vector.shape_cast %get3A_311 : vector<16xf32> to vector<1x16xf32>
        tpu.vector_store %arg8[%swap3A_312, %swap3A_313], %swap3A_316 {add = true, strides = array<i32>} : memref<128x64xf32, #tpu.memory_space<vmem>>, vector<1x16xf32>,
        %get3A_317 = arith.index_cast %scan3A_307 : i32 to index
        %get3A_318 = arith.constant 16 : index
        %get3A_319 = tpu.vector_load %arg6[%get3A_317, %get3A_318] {strides = array<i32>} : memref<128x64xf32, #tpu.memory_space<vmem>>, vector<1x16xf32>,
        %get3A_320 = vector.shape_cast %get3A_319 : vector<1x16xf32> to vector<16xf32>
        %swap3A_321 = arith.index_cast %scan3A_307 : i32 to index
        %swap3A_322 = arith.constant 16 : index
        %swap3A_323 = tpu.vector_load %arg8[%swap3A_321, %swap3A_322] {strides = array<i32>} : memref<128x64xf32, #tpu.memory_space<vmem>>, vector<1x16xf32>,
        %swap3A_324 = vector.shape_cast %swap3A_323 : vector<1x16xf32> to vector<16xf32>
        %swap3A_325 = vector.shape_cast %get3A_320 : vector<16xf32> to vector<1x16xf32>
        tpu.vector_store %arg8[%swap3A_321, %swap3A_322], %swap3A_325 {add = true, strides = array<i32>} : memref<128x64xf32, #tpu.memory_space<vmem>>, vector<1x16xf32>,
        %get3A_326 = arith.index_cast %scan3A_307 : i32 to index
        %get3A_327 = arith.constant 32 : index
        %get3A_328 = tpu.vector_load %arg6[%get3A_326, %get3A_327] {strides = array<i32>} : memref<128x64xf32, #tpu.memory_space<vmem>>, vector<1x16xf32>,
        %get3A_329 = vector.shape_cast %get3A_328 : vector<1x16xf32> to vector<16xf32>
        %swap3A_330 = arith.index_cast %scan3A_307 : i32 to index
        %swap3A_331 = arith.constant 32 : index
        %swap3A_332 = tpu.vector_load %arg8[%swap3A_330, %swap3A_331] {strides = array<i32>} : memref<128x64xf32, #tpu.memory_space<vmem>>, vector<1x16xf32>,
        %swap3A_333 = vector.shape_cast %swap3A_332 : vector<1x16xf32> to vector<16xf32>
        %swap3A_334 = vector.shape_cast %get3A_329 : vector<16xf32> to vector<1x16xf32>
        tpu.vector_store %arg8[%swap3A_330, %swap3A_331], %swap3A_334 {add = true, strides = array<i32>} : memref<128x64xf32, #tpu.memory_space<vmem>>, vector<1x16xf32>,
        %get3A_335 = arith.index_cast %scan3A_307 : i32 to index
        %get3A_336 = arith.constant 48 : index
        %get3A_337 = tpu.vector_load %arg6[%get3A_335, %get3A_336] {strides = array<i32>} : memref<128x64xf32, #tpu.memory_space<vmem>>, vector<1x16xf32>,
        %get3A_338 = vector.shape_cast %get3A_337 : vector<1x16xf32> to vector<16xf32>
        %swap3A_339 = arith.index_cast %scan3A_307 : i32 to index
        %swap3A_340 = arith.constant 48 : index
        %swap3A_341 = tpu.vector_load %arg8[%swap3A_339, %swap3A_340] {strides = array<i32>} : memref<128x64xf32, #tpu.memory_space<vmem>>, vector<1x16xf32>,
        %swap3A_342 = vector.shape_cast %swap3A_341 : vector<1x16xf32> to vector<16xf32>
        %swap3A_343 = vector.shape_cast %get3A_338 : vector<16xf32> to vector<1x16xf32>
        tpu.vector_store %arg8[%swap3A_339, %swap3A_340], %swap3A_343 {add = true, strides = array<i32>} : memref<128x64xf32, #tpu.memory_space<vmem>>, vector<1x16xf32>,
        %scan3A_344 = arith.constant 0 : i32
        %scan3A_345 = arith.constant 7 : i32
        %scan3A_346 = arith.addi %scan3A_74, %scan3A_345 : i32
        %get3A_347 = arith.index_cast %scan3A_346 : i32 to index
        %get3A_348 = arith.constant 0 : index
        %get3A_349 = tpu.vector_load %arg6[%get3A_347, %get3A_348] {strides = array<i32>} : memref<128x64xf32, #tpu.memory_space<vmem>>, vector<1x16xf32>,
        %get3A_350 = vector.shape_cast %get3A_349 : vector<1x16xf32> to vector<16xf32>
        %swap3A_351 = arith.index_cast %scan3A_346 : i32 to index
        %swap3A_352 = arith.constant 0 : index
        %swap3A_353 = tpu.vector_load %arg8[%swap3A_351, %swap3A_352] {strides = array<i32>} : memref<128x64xf32, #tpu.memory_space<vmem>>, vector<1x16xf32>,
        %swap3A_354 = vector.shape_cast %swap3A_353 : vector<1x16xf32> to vector<16xf32>
        %swap3A_355 = vector.shape_cast %get3A_350 : vector<16xf32> to vector<1x16xf32>
        tpu.vector_store %arg8[%swap3A_351, %swap3A_352], %swap3A_355 {add = true, strides = array<i32>} : memref<128x64xf32, #tpu.memory_space<vmem>>, vector<1x16xf32>,
        %get3A_356 = arith.index_cast %scan3A_346 : i32 to index
        %get3A_357 = arith.constant 16 : index
        %get3A_358 = tpu.vector_load %arg6[%get3A_356, %get3A_357] {strides = array<i32>} : memref<128x64xf32, #tpu.memory_space<vmem>>, vector<1x16xf32>,
        %get3A_359 = vector.shape_cast %get3A_358 : vector<1x16xf32> to vector<16xf32>
        %swap3A_360 = arith.index_cast %scan3A_346 : i32 to index
        %swap3A_361 = arith.constant 16 : index
        %swap3A_362 = tpu.vector_load %arg8[%swap3A_360, %swap3A_361] {strides = array<i32>} : memref<128x64xf32, #tpu.memory_space<vmem>>, vector<1x16xf32>,
        %swap3A_363 = vector.shape_cast %swap3A_362 : vector<1x16xf32> to vector<16xf32>
        %swap3A_364 = vector.shape_cast %get3A_359 : vector<16xf32> to vector<1x16xf32>
        tpu.vector_store %arg8[%swap3A_360, %swap3A_361], %swap3A_364 {add = true, strides = array<i32>} : memref<128x64xf32, #tpu.memory_space<vmem>>, vector<1x16xf32>,
        %get3A_365 = arith.index_cast %scan3A_346 : i32 to index
        %get3A_366 = arith.constant 32 : index
        %get3A_367 = tpu.vector_load %arg6[%get3A_365, %get3A_366] {strides = array<i32>} : memref<128x64xf32, #tpu.memory_space<vmem>>, vector<1x16xf32>,
        %get3A_368 = vector.shape_cast %get3A_367 : vector<1x16xf32> to vector<16xf32>
        %swap3A_369 = arith.index_cast %scan3A_346 : i32 to index
        %swap3A_370 = arith.constant 32 : index
        %swap3A_371 = tpu.vector_load %arg8[%swap3A_369, %swap3A_370] {strides = array<i32>} : memref<128x64xf32, #tpu.memory_space<vmem>>, vector<1x16xf32>,
        %swap3A_372 = vector.shape_cast %swap3A_371 : vector<1x16xf32> to vector<16xf32>
        %swap3A_373 = vector.shape_cast %get3A_368 : vector<16xf32> to vector<1x16xf32>
        tpu.vector_store %arg8[%swap3A_369, %swap3A_370], %swap3A_373 {add = true, strides = array<i32>} : memref<128x64xf32, #tpu.memory_space<vmem>>, vector<1x16xf32>,
        %get3A_374 = arith.index_cast %scan3A_346 : i32 to index
        %get3A_375 = arith.constant 48 : index
        %get3A_376 = tpu.vector_load %arg6[%get3A_374, %get3A_375] {strides = array<i32>} : memref<128x64xf32, #tpu.memory_space<vmem>>, vector<1x16xf32>,
        %get3A_377 = vector.shape_cast %get3A_376 : vector<1x16xf32> to vector<16xf32>
        %swap3A_378 = arith.index_cast %scan3A_346 : i32 to index
        %swap3A_379 = arith.constant 48 : index
        %swap3A_380 = tpu.vector_load %arg8[%swap3A_378, %swap3A_379] {strides = array<i32>} : memref<128x64xf32, #tpu.memory_space<vmem>>, vector<1x16xf32>,
        %swap3A_381 = vector.shape_cast %swap3A_380 : vector<1x16xf32> to vector<16xf32>
        %swap3A_382 = vector.shape_cast %get3A_377 : vector<16xf32> to vector<1x16xf32>
        tpu.vector_store %arg8[%swap3A_378, %swap3A_379], %swap3A_382 {add = true, strides = array<i32>} : memref<128x64xf32, #tpu.memory_space<vmem>>, vector<1x16xf32>,
        %scan3A_383 = arith.constant 0 : i32
        scf.yield %scan3A_383 : i32
      }
      %scan3A_44 = arith.constant 128 : i32
      %add3A_45 = arith.constant 2 : i32
      %add3A_46 = arith.addi %mul3A_32, %add3A_45 : i32
      %lt3A = arith.constant 200 : i32
      %lt3A_47 = arith.cmpi slt, %add3A_46, %lt3A : i32
      %convert_element_type3A = arith.extui %lt3A_47 : i1 to i32
      %cond3A = arith.constant 0 : i32
      %cond3A_48 = arith.cmpi ne, %convert_element_type3A, %cond3A : i32
      scf.if %cond3A_48 {
        %dma_start3A_74 = arith.constant 0 : i32
        %dma_start3A_75 = tpu.memref_slice %arg5[%add3A_46, %dma_start3A_74] : memref<200x128xi32, #tpu.memory_space<vmem>> -> memref<1x128xi32, #tpu.memory_space<vmem>>
        %dma_start3A_76 = tpu.memref_squeeze %dma_start3A_75 : memref<1x128xi32, #tpu.memory_space<vmem>> -> memref<128xi32, #tpu.memory_space<vmem>>
        %dma_start3A_77 = arith.constant 0 : i32
        %dma_start3A_78 = arith.constant 0 : i32
        %dma_start3A_79 = tpu.memref_slice %arg2[%dma_start3A_77, %dma_start3A_78] : memref<1000000x64xf32, #tpu.memory_space<hbm>> -> memref<1000000x64xf32, #tpu.memory_space<hbm>>
        tpu.enqueue_indirect_dma source(%dma_start3A_79 : memref<1000000x64xf32, #tpu.memory_space<hbm>>) target(%arg6 : memref<128x64xf32, #tpu.memory_space<vmem>>) offsets(%dma_start3A_76 : memref<128xi32, #tpu.memory_space<vmem>>) semaphore(%arg9 : memref<!tpu.dma_semaphore, #tpu.memory_space<semaphore_mem>>)
      } else {
      }
      %mul3A_49 = arith.constant 2 : i32
      %mul3A_50 = arith.muli %mul3A_49, %scan3A_29 : i32
      %add3A_51 = arith.constant 1 : i32
      %add3A_52 = arith.addi %mul3A_50, %add3A_51 : i32
      %dma_wait3A_53 = arith.constant 0 : i32
      %dma_wait3A_54 = tpu.memref_slice %arg5[%add3A_52, %dma_wait3A_53] : memref<200x128xi32, #tpu.memory_space<vmem>> -> memref<1x128xi32, #tpu.memory_space<vmem>>
      %dma_wait3A_55 = tpu.memref_squeeze %dma_wait3A_54 : memref<1x128xi32, #tpu.memory_space<vmem>> -> memref<128xi32, #tpu.memory_space<vmem>>
      %dma_wait3A_56 = arith.constant 0 : i32
      %dma_wait3A_57 = arith.constant 0 : i32
      %dma_wait3A_58 = tpu.memref_slice %arg2[%dma_wait3A_56, %dma_wait3A_57] : memref<1000000x64xf32, #tpu.memory_space<hbm>> -> memref<1000000x64xf32, #tpu.memory_space<hbm>>
      tpu.wait_indirect_dma semaphore(%arg10 : memref<!tpu.dma_semaphore, #tpu.memory_space<semaphore_mem>>) src(%dma_wait3A_58 : memref<1000000x64xf32, #tpu.memory_space<hbm>>) dst(%arg7 : memref<128x64xf32, #tpu.memory_space<vmem>>)
      %scan3A_59 = arith.constant 0 : i32
      %scan3A_60 = arith.constant 0 : i32
      %scan3A_61 = arith.constant 128 : i32
      %scan3A_62 = arith.addi %scan3A_60, %scan3A_61 : i32
      %scan3A_63 = arith.constant 8 : i32
      %scan3A_64 = scf.for %scan3A_74 = %scan3A_60 to %scan3A_62 step %scan3A_63 iter_args(%scan3A_75 = %scan3A_59) -> (i32)  : i32 {
        %get3A = arith.index_cast %scan3A_74 : i32 to index
        %get3A_76 = arith.constant 0 : index
        %get3A_77 = tpu.vector_load %arg7[%get3A, %get3A_76] {strides = array<i32>} : memref<128x64xf32, #tpu.memory_space<vmem>>, vector<1x16xf32>,
        %get3A_78 = vector.shape_cast %get3A_77 : vector<1x16xf32> to vector<16xf32>
        %swap3A = arith.index_cast %scan3A_74 : i32 to index
        %swap3A_79 = arith.constant 0 : index
        %swap3A_80 = tpu.vector_load %arg8[%swap3A, %swap3A_79] {strides = array<i32>} : memref<128x64xf32, #tpu.memory_space<vmem>>, vector<1x16xf32>,
        %swap3A_81 = vector.shape_cast %swap3A_80 : vector<1x16xf32> to vector<16xf32>
        %swap3A_82 = vector.shape_cast %get3A_78 : vector<16xf32> to vector<1x16xf32>
        tpu.vector_store %arg8[%swap3A, %swap3A_79], %swap3A_82 {add = true, strides = array<i32>} : memref<128x64xf32, #tpu.memory_space<vmem>>, vector<1x16xf32>,
        %get3A_83 = arith.index_cast %scan3A_74 : i32 to index
        %get3A_84 = arith.constant 16 : index
        %get3A_85 = tpu.vector_load %arg7[%get3A_83, %get3A_84] {strides = array<i32>} : memref<128x64xf32, #tpu.memory_space<vmem>>, vector<1x16xf32>,
        %get3A_86 = vector.shape_cast %get3A_85 : vector<1x16xf32> to vector<16xf32>
        %swap3A_87 = arith.index_cast %scan3A_74 : i32 to index
        %swap3A_88 = arith.constant 16 : index
        %swap3A_89 = tpu.vector_load %arg8[%swap3A_87, %swap3A_88] {strides = array<i32>} : memref<128x64xf32, #tpu.memory_space<vmem>>, vector<1x16xf32>,
        %swap3A_90 = vector.shape_cast %swap3A_89 : vector<1x16xf32> to vector<16xf32>
        %swap3A_91 = vector.shape_cast %get3A_86 : vector<16xf32> to vector<1x16xf32>
        tpu.vector_store %arg8[%swap3A_87, %swap3A_88], %swap3A_91 {add = true, strides = array<i32>} : memref<128x64xf32, #tpu.memory_space<vmem>>, vector<1x16xf32>,
        %get3A_92 = arith.index_cast %scan3A_74 : i32 to index
        %get3A_93 = arith.constant 32 : index
        %get3A_94 = tpu.vector_load %arg7[%get3A_92, %get3A_93] {strides = array<i32>} : memref<128x64xf32, #tpu.memory_space<vmem>>, vector<1x16xf32>,
        %get3A_95 = vector.shape_cast %get3A_94 : vector<1x16xf32> to vector<16xf32>
        %swap3A_96 = arith.index_cast %scan3A_74 : i32 to index
        %swap3A_97 = arith.constant 32 : index
        %swap3A_98 = tpu.vector_load %arg8[%swap3A_96, %swap3A_97] {strides = array<i32>} : memref<128x64xf32, #tpu.memory_space<vmem>>, vector<1x16xf32>,
        %swap3A_99 = vector.shape_cast %swap3A_98 : vector<1x16xf32> to vector<16xf32>
        %swap3A_100 = vector.shape_cast %get3A_95 : vector<16xf32> to vector<1x16xf32>
        tpu.vector_store %arg8[%swap3A_96, %swap3A_97], %swap3A_100 {add = true, strides = array<i32>} : memref<128x64xf32, #tpu.memory_space<vmem>>, vector<1x16xf32>,
        %get3A_101 = arith.index_cast %scan3A_74 : i32 to index
        %get3A_102 = arith.constant 48 : index
        %get3A_103 = tpu.vector_load %arg7[%get3A_101, %get3A_102] {strides = array<i32>} : memref<128x64xf32, #tpu.memory_space<vmem>>, vector<1x16xf32>,
        %get3A_104 = vector.shape_cast %get3A_103 : vector<1x16xf32> to vector<16xf32>
        %swap3A_105 = arith.index_cast %scan3A_74 : i32 to index
        %swap3A_106 = arith.constant 48 : index
        %swap3A_107 = tpu.vector_load %arg8[%swap3A_105, %swap3A_106] {strides = array<i32>} : memref<128x64xf32, #tpu.memory_space<vmem>>, vector<1x16xf32>,
        %swap3A_108 = vector.shape_cast %swap3A_107 : vector<1x16xf32> to vector<16xf32>
        %swap3A_109 = vector.shape_cast %get3A_104 : vector<16xf32> to vector<1x16xf32>
        tpu.vector_store %arg8[%swap3A_105, %swap3A_106], %swap3A_109 {add = true, strides = array<i32>} : memref<128x64xf32, #tpu.memory_space<vmem>>, vector<1x16xf32>,
        %scan3A_110 = arith.constant 0 : i32
        %scan3A_111 = arith.constant 1 : i32
        %scan3A_112 = arith.addi %scan3A_74, %scan3A_111 : i32
        %get3A_113 = arith.index_cast %scan3A_112 : i32 to index
        %get3A_114 = arith.constant 0 : index
        %get3A_115 = tpu.vector_load %arg7[%get3A_113, %get3A_114] {strides = array<i32>} : memref<128x64xf32, #tpu.memory_space<vmem>>, vector<1x16xf32>,
        %get3A_116 = vector.shape_cast %get3A_115 : vector<1x16xf32> to vector<16xf32>
        %swap3A_117 = arith.index_cast %scan3A_112 : i32 to index
        %swap3A_118 = arith.constant 0 : index
        %swap3A_119 = tpu.vector_load %arg8[%swap3A_117, %swap3A_118] {strides = array<i32>} : memref<128x64xf32, #tpu.memory_space<vmem>>, vector<1x16xf32>,
        %swap3A_120 = vector.shape_cast %swap3A_119 : vector<1x16xf32> to vector<16xf32>
        %swap3A_121 = vector.shape_cast %get3A_116 : vector<16xf32> to vector<1x16xf32>
        tpu.vector_store %arg8[%swap3A_117, %swap3A_118], %swap3A_121 {add = true, strides = array<i32>} : memref<128x64xf32, #tpu.memory_space<vmem>>, vector<1x16xf32>,
        %get3A_122 = arith.index_cast %scan3A_112 : i32 to index
        %get3A_123 = arith.constant 16 : index
        %get3A_124 = tpu.vector_load %arg7[%get3A_122, %get3A_123] {strides = array<i32>} : memref<128x64xf32, #tpu.memory_space<vmem>>, vector<1x16xf32>,
        %get3A_125 = vector.shape_cast %get3A_124 : vector<1x16xf32> to vector<16xf32>
        %swap3A_126 = arith.index_cast %scan3A_112 : i32 to index
        %swap3A_127 = arith.constant 16 : index
        %swap3A_128 = tpu.vector_load %arg8[%swap3A_126, %swap3A_127] {strides = array<i32>} : memref<128x64xf32, #tpu.memory_space<vmem>>, vector<1x16xf32>,
        %swap3A_129 = vector.shape_cast %swap3A_128 : vector<1x16xf32> to vector<16xf32>
        %swap3A_130 = vector.shape_cast %get3A_125 : vector<16xf32> to vector<1x16xf32>
        tpu.vector_store %arg8[%swap3A_126, %swap3A_127], %swap3A_130 {add = true, strides = array<i32>} : memref<128x64xf32, #tpu.memory_space<vmem>>, vector<1x16xf32>,
        %get3A_131 = arith.index_cast %scan3A_112 : i32 to index
        %get3A_132 = arith.constant 32 : index
        %get3A_133 = tpu.vector_load %arg7[%get3A_131, %get3A_132] {strides = array<i32>} : memref<128x64xf32, #tpu.memory_space<vmem>>, vector<1x16xf32>,
        %get3A_134 = vector.shape_cast %get3A_133 : vector<1x16xf32> to vector<16xf32>
        %swap3A_135 = arith.index_cast %scan3A_112 : i32 to index
        %swap3A_136 = arith.constant 32 : index
        %swap3A_137 = tpu.vector_load %arg8[%swap3A_135, %swap3A_136] {strides = array<i32>} : memref<128x64xf32, #tpu.memory_space<vmem>>, vector<1x16xf32>,
        %swap3A_138 = vector.shape_cast %swap3A_137 : vector<1x16xf32> to vector<16xf32>
        %swap3A_139 = vector.shape_cast %get3A_134 : vector<16xf32> to vector<1x16xf32>
        tpu.vector_store %arg8[%swap3A_135, %swap3A_136], %swap3A_139 {add = true, strides = array<i32>} : memref<128x64xf32, #tpu.memory_space<vmem>>, vector<1x16xf32>,
        %get3A_140 = arith.index_cast %scan3A_112 : i32 to index
        %get3A_141 = arith.constant 48 : index
        %get3A_142 = tpu.vector_load %arg7[%get3A_140, %get3A_141] {strides = array<i32>} : memref<128x64xf32, #tpu.memory_space<vmem>>, vector<1x16xf32>,
        %get3A_143 = vector.shape_cast %get3A_142 : vector<1x16xf32> to vector<16xf32>
        %swap3A_144 = arith.index_cast %scan3A_112 : i32 to index
        %swap3A_145 = arith.constant 48 : index
        %swap3A_146 = tpu.vector_load %arg8[%swap3A_144, %swap3A_145] {strides = array<i32>} : memref<128x64xf32, #tpu.memory_space<vmem>>, vector<1x16xf32>,
        %swap3A_147 = vector.shape_cast %swap3A_146 : vector<1x16xf32> to vector<16xf32>
        %swap3A_148 = vector.shape_cast %get3A_143 : vector<16xf32> to vector<1x16xf32>
        tpu.vector_store %arg8[%swap3A_144, %swap3A_145], %swap3A_148 {add = true, strides = array<i32>} : memref<128x64xf32, #tpu.memory_space<vmem>>, vector<1x16xf32>,
        %scan3A_149 = arith.constant 0 : i32
        %scan3A_150 = arith.constant 2 : i32
        %scan3A_151 = arith.addi %scan3A_74, %scan3A_150 : i32
        %get3A_152 = arith.index_cast %scan3A_151 : i32 to index
        %get3A_153 = arith.constant 0 : index
        %get3A_154 = tpu.vector_load %arg7[%get3A_152, %get3A_153] {strides = array<i32>} : memref<128x64xf32, #tpu.memory_space<vmem>>, vector<1x16xf32>,
        %get3A_155 = vector.shape_cast %get3A_154 : vector<1x16xf32> to vector<16xf32>
        %swap3A_156 = arith.index_cast %scan3A_151 : i32 to index
        %swap3A_157 = arith.constant 0 : index
        %swap3A_158 = tpu.vector_load %arg8[%swap3A_156, %swap3A_157] {strides = array<i32>} : memref<128x64xf32, #tpu.memory_space<vmem>>, vector<1x16xf32>,
        %swap3A_159 = vector.shape_cast %swap3A_158 : vector<1x16xf32> to vector<16xf32>
        %swap3A_160 = vector.shape_cast %get3A_155 : vector<16xf32> to vector<1x16xf32>
        tpu.vector_store %arg8[%swap3A_156, %swap3A_157], %swap3A_160 {add = true, strides = array<i32>} : memref<128x64xf32, #tpu.memory_space<vmem>>, vector<1x16xf32>,
        %get3A_161 = arith.index_cast %scan3A_151 : i32 to index
        %get3A_162 = arith.constant 16 : index
        %get3A_163 = tpu.vector_load %arg7[%get3A_161, %get3A_162] {strides = array<i32>} : memref<128x64xf32, #tpu.memory_space<vmem>>, vector<1x16xf32>,
        %get3A_164 = vector.shape_cast %get3A_163 : vector<1x16xf32> to vector<16xf32>
        %swap3A_165 = arith.index_cast %scan3A_151 : i32 to index
        %swap3A_166 = arith.constant 16 : index
        %swap3A_167 = tpu.vector_load %arg8[%swap3A_165, %swap3A_166] {strides = array<i32>} : memref<128x64xf32, #tpu.memory_space<vmem>>, vector<1x16xf32>,
        %swap3A_168 = vector.shape_cast %swap3A_167 : vector<1x16xf32> to vector<16xf32>
        %swap3A_169 = vector.shape_cast %get3A_164 : vector<16xf32> to vector<1x16xf32>
        tpu.vector_store %arg8[%swap3A_165, %swap3A_166], %swap3A_169 {add = true, strides = array<i32>} : memref<128x64xf32, #tpu.memory_space<vmem>>, vector<1x16xf32>,
        %get3A_170 = arith.index_cast %scan3A_151 : i32 to index
        %get3A_171 = arith.constant 32 : index
        %get3A_172 = tpu.vector_load %arg7[%get3A_170, %get3A_171] {strides = array<i32>} : memref<128x64xf32, #tpu.memory_space<vmem>>, vector<1x16xf32>,
        %get3A_173 = vector.shape_cast %get3A_172 : vector<1x16xf32> to vector<16xf32>
        %swap3A_174 = arith.index_cast %scan3A_151 : i32 to index
        %swap3A_175 = arith.constant 32 : index
        %swap3A_176 = tpu.vector_load %arg8[%swap3A_174, %swap3A_175] {strides = array<i32>} : memref<128x64xf32, #tpu.memory_space<vmem>>, vector<1x16xf32>,
        %swap3A_177 = vector.shape_cast %swap3A_176 : vector<1x16xf32> to vector<16xf32>
        %swap3A_178 = vector.shape_cast %get3A_173 : vector<16xf32> to vector<1x16xf32>
        tpu.vector_store %arg8[%swap3A_174, %swap3A_175], %swap3A_178 {add = true, strides = array<i32>} : memref<128x64xf32, #tpu.memory_space<vmem>>, vector<1x16xf32>,
        %get3A_179 = arith.index_cast %scan3A_151 : i32 to index
        %get3A_180 = arith.constant 48 : index
        %get3A_181 = tpu.vector_load %arg7[%get3A_179, %get3A_180] {strides = array<i32>} : memref<128x64xf32, #tpu.memory_space<vmem>>, vector<1x16xf32>,
        %get3A_182 = vector.shape_cast %get3A_181 : vector<1x16xf32> to vector<16xf32>
        %swap3A_183 = arith.index_cast %scan3A_151 : i32 to index
        %swap3A_184 = arith.constant 48 : index
        %swap3A_185 = tpu.vector_load %arg8[%swap3A_183, %swap3A_184] {strides = array<i32>} : memref<128x64xf32, #tpu.memory_space<vmem>>, vector<1x16xf32>,
        %swap3A_186 = vector.shape_cast %swap3A_185 : vector<1x16xf32> to vector<16xf32>
        %swap3A_187 = vector.shape_cast %get3A_182 : vector<16xf32> to vector<1x16xf32>
        tpu.vector_store %arg8[%swap3A_183, %swap3A_184], %swap3A_187 {add = true, strides = array<i32>} : memref<128x64xf32, #tpu.memory_space<vmem>>, vector<1x16xf32>,
        %scan3A_188 = arith.constant 0 : i32
        %scan3A_189 = arith.constant 3 : i32
        %scan3A_190 = arith.addi %scan3A_74, %scan3A_189 : i32
        %get3A_191 = arith.index_cast %scan3A_190 : i32 to index
        %get3A_192 = arith.constant 0 : index
        %get3A_193 = tpu.vector_load %arg7[%get3A_191, %get3A_192] {strides = array<i32>} : memref<128x64xf32, #tpu.memory_space<vmem>>, vector<1x16xf32>,
        %get3A_194 = vector.shape_cast %get3A_193 : vector<1x16xf32> to vector<16xf32>
        %swap3A_195 = arith.index_cast %scan3A_190 : i32 to index
        %swap3A_196 = arith.constant 0 : index
        %swap3A_197 = tpu.vector_load %arg8[%swap3A_195, %swap3A_196] {strides = array<i32>} : memref<128x64xf32, #tpu.memory_space<vmem>>, vector<1x16xf32>,
        %swap3A_198 = vector.shape_cast %swap3A_197 : vector<1x16xf32> to vector<16xf32>
        %swap3A_199 = vector.shape_cast %get3A_194 : vector<16xf32> to vector<1x16xf32>
        tpu.vector_store %arg8[%swap3A_195, %swap3A_196], %swap3A_199 {add = true, strides = array<i32>} : memref<128x64xf32, #tpu.memory_space<vmem>>, vector<1x16xf32>,
        %get3A_200 = arith.index_cast %scan3A_190 : i32 to index
        %get3A_201 = arith.constant 16 : index
        %get3A_202 = tpu.vector_load %arg7[%get3A_200, %get3A_201] {strides = array<i32>} : memref<128x64xf32, #tpu.memory_space<vmem>>, vector<1x16xf32>,
        %get3A_203 = vector.shape_cast %get3A_202 : vector<1x16xf32> to vector<16xf32>
        %swap3A_204 = arith.index_cast %scan3A_190 : i32 to index
        %swap3A_205 = arith.constant 16 : index
        %swap3A_206 = tpu.vector_load %arg8[%swap3A_204, %swap3A_205] {strides = array<i32>} : memref<128x64xf32, #tpu.memory_space<vmem>>, vector<1x16xf32>,
        %swap3A_207 = vector.shape_cast %swap3A_206 : vector<1x16xf32> to vector<16xf32>
        %swap3A_208 = vector.shape_cast %get3A_203 : vector<16xf32> to vector<1x16xf32>
        tpu.vector_store %arg8[%swap3A_204, %swap3A_205], %swap3A_208 {add = true, strides = array<i32>} : memref<128x64xf32, #tpu.memory_space<vmem>>, vector<1x16xf32>,
        %get3A_209 = arith.index_cast %scan3A_190 : i32 to index
        %get3A_210 = arith.constant 32 : index
        %get3A_211 = tpu.vector_load %arg7[%get3A_209, %get3A_210] {strides = array<i32>} : memref<128x64xf32, #tpu.memory_space<vmem>>, vector<1x16xf32>,
        %get3A_212 = vector.shape_cast %get3A_211 : vector<1x16xf32> to vector<16xf32>
        %swap3A_213 = arith.index_cast %scan3A_190 : i32 to index
        %swap3A_214 = arith.constant 32 : index
        %swap3A_215 = tpu.vector_load %arg8[%swap3A_213, %swap3A_214] {strides = array<i32>} : memref<128x64xf32, #tpu.memory_space<vmem>>, vector<1x16xf32>,
        %swap3A_216 = vector.shape_cast %swap3A_215 : vector<1x16xf32> to vector<16xf32>
        %swap3A_217 = vector.shape_cast %get3A_212 : vector<16xf32> to vector<1x16xf32>
        tpu.vector_store %arg8[%swap3A_213, %swap3A_214], %swap3A_217 {add = true, strides = array<i32>} : memref<128x64xf32, #tpu.memory_space<vmem>>, vector<1x16xf32>,
        %get3A_218 = arith.index_cast %scan3A_190 : i32 to index
        %get3A_219 = arith.constant 48 : index
        %get3A_220 = tpu.vector_load %arg7[%get3A_218, %get3A_219] {strides = array<i32>} : memref<128x64xf32, #tpu.memory_space<vmem>>, vector<1x16xf32>,
        %get3A_221 = vector.shape_cast %get3A_220 : vector<1x16xf32> to vector<16xf32>
        %swap3A_222 = arith.index_cast %scan3A_190 : i32 to index
        %swap3A_223 = arith.constant 48 : index
        %swap3A_224 = tpu.vector_load %arg8[%swap3A_222, %swap3A_223] {strides = array<i32>} : memref<128x64xf32, #tpu.memory_space<vmem>>, vector<1x16xf32>,
        %swap3A_225 = vector.shape_cast %swap3A_224 : vector<1x16xf32> to vector<16xf32>
        %swap3A_226 = vector.shape_cast %get3A_221 : vector<16xf32> to vector<1x16xf32>
        tpu.vector_store %arg8[%swap3A_222, %swap3A_223], %swap3A_226 {add = true, strides = array<i32>} : memref<128x64xf32, #tpu.memory_space<vmem>>, vector<1x16xf32>,
        %scan3A_227 = arith.constant 0 : i32
        %scan3A_228 = arith.constant 4 : i32
        %scan3A_229 = arith.addi %scan3A_74, %scan3A_228 : i32
        %get3A_230 = arith.index_cast %scan3A_229 : i32 to index
        %get3A_231 = arith.constant 0 : index
        %get3A_232 = tpu.vector_load %arg7[%get3A_230, %get3A_231] {strides = array<i32>} : memref<128x64xf32, #tpu.memory_space<vmem>>, vector<1x16xf32>,
        %get3A_233 = vector.shape_cast %get3A_232 : vector<1x16xf32> to vector<16xf32>
        %swap3A_234 = arith.index_cast %scan3A_229 : i32 to index
        %swap3A_235 = arith.constant 0 : index
        %swap3A_236 = tpu.vector_load %arg8[%swap3A_234, %swap3A_235] {strides = array<i32>} : memref<128x64xf32, #tpu.memory_space<vmem>>, vector<1x16xf32>,
        %swap3A_237 = vector.shape_cast %swap3A_236 : vector<1x16xf32> to vector<16xf32>
        %swap3A_238 = vector.shape_cast %get3A_233 : vector<16xf32> to vector<1x16xf32>
        tpu.vector_store %arg8[%swap3A_234, %swap3A_235], %swap3A_238 {add = true, strides = array<i32>} : memref<128x64xf32, #tpu.memory_space<vmem>>, vector<1x16xf32>,
        %get3A_239 = arith.index_cast %scan3A_229 : i32 to index
        %get3A_240 = arith.constant 16 : index
        %get3A_241 = tpu.vector_load %arg7[%get3A_239, %get3A_240] {strides = array<i32>} : memref<128x64xf32, #tpu.memory_space<vmem>>, vector<1x16xf32>,
        %get3A_242 = vector.shape_cast %get3A_241 : vector<1x16xf32> to vector<16xf32>
        %swap3A_243 = arith.index_cast %scan3A_229 : i32 to index
        %swap3A_244 = arith.constant 16 : index
        %swap3A_245 = tpu.vector_load %arg8[%swap3A_243, %swap3A_244] {strides = array<i32>} : memref<128x64xf32, #tpu.memory_space<vmem>>, vector<1x16xf32>,
        %swap3A_246 = vector.shape_cast %swap3A_245 : vector<1x16xf32> to vector<16xf32>
        %swap3A_247 = vector.shape_cast %get3A_242 : vector<16xf32> to vector<1x16xf32>
        tpu.vector_store %arg8[%swap3A_243, %swap3A_244], %swap3A_247 {add = true, strides = array<i32>} : memref<128x64xf32, #tpu.memory_space<vmem>>, vector<1x16xf32>,
        %get3A_248 = arith.index_cast %scan3A_229 : i32 to index
        %get3A_249 = arith.constant 32 : index
        %get3A_250 = tpu.vector_load %arg7[%get3A_248, %get3A_249] {strides = array<i32>} : memref<128x64xf32, #tpu.memory_space<vmem>>, vector<1x16xf32>,
        %get3A_251 = vector.shape_cast %get3A_250 : vector<1x16xf32> to vector<16xf32>
        %swap3A_252 = arith.index_cast %scan3A_229 : i32 to index
        %swap3A_253 = arith.constant 32 : index
        %swap3A_254 = tpu.vector_load %arg8[%swap3A_252, %swap3A_253] {strides = array<i32>} : memref<128x64xf32, #tpu.memory_space<vmem>>, vector<1x16xf32>,
        %swap3A_255 = vector.shape_cast %swap3A_254 : vector<1x16xf32> to vector<16xf32>
        %swap3A_256 = vector.shape_cast %get3A_251 : vector<16xf32> to vector<1x16xf32>
        tpu.vector_store %arg8[%swap3A_252, %swap3A_253], %swap3A_256 {add = true, strides = array<i32>} : memref<128x64xf32, #tpu.memory_space<vmem>>, vector<1x16xf32>,
        %get3A_257 = arith.index_cast %scan3A_229 : i32 to index
        %get3A_258 = arith.constant 48 : index
        %get3A_259 = tpu.vector_load %arg7[%get3A_257, %get3A_258] {strides = array<i32>} : memref<128x64xf32, #tpu.memory_space<vmem>>, vector<1x16xf32>,
        %get3A_260 = vector.shape_cast %get3A_259 : vector<1x16xf32> to vector<16xf32>
        %swap3A_261 = arith.index_cast %scan3A_229 : i32 to index
        %swap3A_262 = arith.constant 48 : index
        %swap3A_263 = tpu.vector_load %arg8[%swap3A_261, %swap3A_262] {strides = array<i32>} : memref<128x64xf32, #tpu.memory_space<vmem>>, vector<1x16xf32>,
        %swap3A_264 = vector.shape_cast %swap3A_263 : vector<1x16xf32> to vector<16xf32>
        %swap3A_265 = vector.shape_cast %get3A_260 : vector<16xf32> to vector<1x16xf32>
        tpu.vector_store %arg8[%swap3A_261, %swap3A_262], %swap3A_265 {add = true, strides = array<i32>} : memref<128x64xf32, #tpu.memory_space<vmem>>, vector<1x16xf32>,
        %scan3A_266 = arith.constant 0 : i32
        %scan3A_267 = arith.constant 5 : i32
        %scan3A_268 = arith.addi %scan3A_74, %scan3A_267 : i32
        %get3A_269 = arith.index_cast %scan3A_268 : i32 to index
        %get3A_270 = arith.constant 0 : index
        %get3A_271 = tpu.vector_load %arg7[%get3A_269, %get3A_270] {strides = array<i32>} : memref<128x64xf32, #tpu.memory_space<vmem>>, vector<1x16xf32>,
        %get3A_272 = vector.shape_cast %get3A_271 : vector<1x16xf32> to vector<16xf32>
        %swap3A_273 = arith.index_cast %scan3A_268 : i32 to index
        %swap3A_274 = arith.constant 0 : index
        %swap3A_275 = tpu.vector_load %arg8[%swap3A_273, %swap3A_274] {strides = array<i32>} : memref<128x64xf32, #tpu.memory_space<vmem>>, vector<1x16xf32>,
        %swap3A_276 = vector.shape_cast %swap3A_275 : vector<1x16xf32> to vector<16xf32>
        %swap3A_277 = vector.shape_cast %get3A_272 : vector<16xf32> to vector<1x16xf32>
        tpu.vector_store %arg8[%swap3A_273, %swap3A_274], %swap3A_277 {add = true, strides = array<i32>} : memref<128x64xf32, #tpu.memory_space<vmem>>, vector<1x16xf32>,
        %get3A_278 = arith.index_cast %scan3A_268 : i32 to index
        %get3A_279 = arith.constant 16 : index
        %get3A_280 = tpu.vector_load %arg7[%get3A_278, %get3A_279] {strides = array<i32>} : memref<128x64xf32, #tpu.memory_space<vmem>>, vector<1x16xf32>,
        %get3A_281 = vector.shape_cast %get3A_280 : vector<1x16xf32> to vector<16xf32>
        %swap3A_282 = arith.index_cast %scan3A_268 : i32 to index
        %swap3A_283 = arith.constant 16 : index
        %swap3A_284 = tpu.vector_load %arg8[%swap3A_282, %swap3A_283] {strides = array<i32>} : memref<128x64xf32, #tpu.memory_space<vmem>>, vector<1x16xf32>,
        %swap3A_285 = vector.shape_cast %swap3A_284 : vector<1x16xf32> to vector<16xf32>
        %swap3A_286 = vector.shape_cast %get3A_281 : vector<16xf32> to vector<1x16xf32>
        tpu.vector_store %arg8[%swap3A_282, %swap3A_283], %swap3A_286 {add = true, strides = array<i32>} : memref<128x64xf32, #tpu.memory_space<vmem>>, vector<1x16xf32>,
        %get3A_287 = arith.index_cast %scan3A_268 : i32 to index
        %get3A_288 = arith.constant 32 : index
        %get3A_289 = tpu.vector_load %arg7[%get3A_287, %get3A_288] {strides = array<i32>} : memref<128x64xf32, #tpu.memory_space<vmem>>, vector<1x16xf32>,
        %get3A_290 = vector.shape_cast %get3A_289 : vector<1x16xf32> to vector<16xf32>
        %swap3A_291 = arith.index_cast %scan3A_268 : i32 to index
        %swap3A_292 = arith.constant 32 : index
        %swap3A_293 = tpu.vector_load %arg8[%swap3A_291, %swap3A_292] {strides = array<i32>} : memref<128x64xf32, #tpu.memory_space<vmem>>, vector<1x16xf32>,
        %swap3A_294 = vector.shape_cast %swap3A_293 : vector<1x16xf32> to vector<16xf32>
        %swap3A_295 = vector.shape_cast %get3A_290 : vector<16xf32> to vector<1x16xf32>
        tpu.vector_store %arg8[%swap3A_291, %swap3A_292], %swap3A_295 {add = true, strides = array<i32>} : memref<128x64xf32, #tpu.memory_space<vmem>>, vector<1x16xf32>,
        %get3A_296 = arith.index_cast %scan3A_268 : i32 to index
        %get3A_297 = arith.constant 48 : index
        %get3A_298 = tpu.vector_load %arg7[%get3A_296, %get3A_297] {strides = array<i32>} : memref<128x64xf32, #tpu.memory_space<vmem>>, vector<1x16xf32>,
        %get3A_299 = vector.shape_cast %get3A_298 : vector<1x16xf32> to vector<16xf32>
        %swap3A_300 = arith.index_cast %scan3A_268 : i32 to index
        %swap3A_301 = arith.constant 48 : index
        %swap3A_302 = tpu.vector_load %arg8[%swap3A_300, %swap3A_301] {strides = array<i32>} : memref<128x64xf32, #tpu.memory_space<vmem>>, vector<1x16xf32>,
        %swap3A_303 = vector.shape_cast %swap3A_302 : vector<1x16xf32> to vector<16xf32>
        %swap3A_304 = vector.shape_cast %get3A_299 : vector<16xf32> to vector<1x16xf32>
        tpu.vector_store %arg8[%swap3A_300, %swap3A_301], %swap3A_304 {add = true, strides = array<i32>} : memref<128x64xf32, #tpu.memory_space<vmem>>, vector<1x16xf32>,
        %scan3A_305 = arith.constant 0 : i32
        %scan3A_306 = arith.constant 6 : i32
        %scan3A_307 = arith.addi %scan3A_74, %scan3A_306 : i32
        %get3A_308 = arith.index_cast %scan3A_307 : i32 to index
        %get3A_309 = arith.constant 0 : index
        %get3A_310 = tpu.vector_load %arg7[%get3A_308, %get3A_309] {strides = array<i32>} : memref<128x64xf32, #tpu.memory_space<vmem>>, vector<1x16xf32>,
        %get3A_311 = vector.shape_cast %get3A_310 : vector<1x16xf32> to vector<16xf32>
        %swap3A_312 = arith.index_cast %scan3A_307 : i32 to index
        %swap3A_313 = arith.constant 0 : index
        %swap3A_314 = tpu.vector_load %arg8[%swap3A_312, %swap3A_313] {strides = array<i32>} : memref<128x64xf32, #tpu.memory_space<vmem>>, vector<1x16xf32>,
        %swap3A_315 = vector.shape_cast %swap3A_314 : vector<1x16xf32> to vector<16xf32>
        %swap3A_316 = vector.shape_cast %get3A_311 : vector<16xf32> to vector<1x16xf32>
        tpu.vector_store %arg8[%swap3A_312, %swap3A_313], %swap3A_316 {add = true, strides = array<i32>} : memref<128x64xf32, #tpu.memory_space<vmem>>, vector<1x16xf32>,
        %get3A_317 = arith.index_cast %scan3A_307 : i32 to index
        %get3A_318 = arith.constant 16 : index
        %get3A_319 = tpu.vector_load %arg7[%get3A_317, %get3A_318] {strides = array<i32>} : memref<128x64xf32, #tpu.memory_space<vmem>>, vector<1x16xf32>,
        %get3A_320 = vector.shape_cast %get3A_319 : vector<1x16xf32> to vector<16xf32>
        %swap3A_321 = arith.index_cast %scan3A_307 : i32 to index
        %swap3A_322 = arith.constant 16 : index
        %swap3A_323 = tpu.vector_load %arg8[%swap3A_321, %swap3A_322] {strides = array<i32>} : memref<128x64xf32, #tpu.memory_space<vmem>>, vector<1x16xf32>,
        %swap3A_324 = vector.shape_cast %swap3A_323 : vector<1x16xf32> to vector<16xf32>
        %swap3A_325 = vector.shape_cast %get3A_320 : vector<16xf32> to vector<1x16xf32>
        tpu.vector_store %arg8[%swap3A_321, %swap3A_322], %swap3A_325 {add = true, strides = array<i32>} : memref<128x64xf32, #tpu.memory_space<vmem>>, vector<1x16xf32>,
        %get3A_326 = arith.index_cast %scan3A_307 : i32 to index
        %get3A_327 = arith.constant 32 : index
        %get3A_328 = tpu.vector_load %arg7[%get3A_326, %get3A_327] {strides = array<i32>} : memref<128x64xf32, #tpu.memory_space<vmem>>, vector<1x16xf32>,
        %get3A_329 = vector.shape_cast %get3A_328 : vector<1x16xf32> to vector<16xf32>
        %swap3A_330 = arith.index_cast %scan3A_307 : i32 to index
        %swap3A_331 = arith.constant 32 : index
        %swap3A_332 = tpu.vector_load %arg8[%swap3A_330, %swap3A_331] {strides = array<i32>} : memref<128x64xf32, #tpu.memory_space<vmem>>, vector<1x16xf32>,
        %swap3A_333 = vector.shape_cast %swap3A_332 : vector<1x16xf32> to vector<16xf32>
        %swap3A_334 = vector.shape_cast %get3A_329 : vector<16xf32> to vector<1x16xf32>
        tpu.vector_store %arg8[%swap3A_330, %swap3A_331], %swap3A_334 {add = true, strides = array<i32>} : memref<128x64xf32, #tpu.memory_space<vmem>>, vector<1x16xf32>,
        %get3A_335 = arith.index_cast %scan3A_307 : i32 to index
        %get3A_336 = arith.constant 48 : index
        %get3A_337 = tpu.vector_load %arg7[%get3A_335, %get3A_336] {strides = array<i32>} : memref<128x64xf32, #tpu.memory_space<vmem>>, vector<1x16xf32>,
        %get3A_338 = vector.shape_cast %get3A_337 : vector<1x16xf32> to vector<16xf32>
        %swap3A_339 = arith.index_cast %scan3A_307 : i32 to index
        %swap3A_340 = arith.constant 48 : index
        %swap3A_341 = tpu.vector_load %arg8[%swap3A_339, %swap3A_340] {strides = array<i32>} : memref<128x64xf32, #tpu.memory_space<vmem>>, vector<1x16xf32>,
        %swap3A_342 = vector.shape_cast %swap3A_341 : vector<1x16xf32> to vector<16xf32>
        %swap3A_343 = vector.shape_cast %get3A_338 : vector<16xf32> to vector<1x16xf32>
        tpu.vector_store %arg8[%swap3A_339, %swap3A_340], %swap3A_343 {add = true, strides = array<i32>} : memref<128x64xf32, #tpu.memory_space<vmem>>, vector<1x16xf32>,
        %scan3A_344 = arith.constant 0 : i32
        %scan3A_345 = arith.constant 7 : i32
        %scan3A_346 = arith.addi %scan3A_74, %scan3A_345 : i32
        %get3A_347 = arith.index_cast %scan3A_346 : i32 to index
        %get3A_348 = arith.constant 0 : index
        %get3A_349 = tpu.vector_load %arg7[%get3A_347, %get3A_348] {strides = array<i32>} : memref<128x64xf32, #tpu.memory_space<vmem>>, vector<1x16xf32>,
        %get3A_350 = vector.shape_cast %get3A_349 : vector<1x16xf32> to vector<16xf32>
        %swap3A_351 = arith.index_cast %scan3A_346 : i32 to index
        %swap3A_352 = arith.constant 0 : index
        %swap3A_353 = tpu.vector_load %arg8[%swap3A_351, %swap3A_352] {strides = array<i32>} : memref<128x64xf32, #tpu.memory_space<vmem>>, vector<1x16xf32>,
        %swap3A_354 = vector.shape_cast %swap3A_353 : vector<1x16xf32> to vector<16xf32>
        %swap3A_355 = vector.shape_cast %get3A_350 : vector<16xf32> to vector<1x16xf32>
        tpu.vector_store %arg8[%swap3A_351, %swap3A_352], %swap3A_355 {add = true, strides = array<i32>} : memref<128x64xf32, #tpu.memory_space<vmem>>, vector<1x16xf32>,
        %get3A_356 = arith.index_cast %scan3A_346 : i32 to index
        %get3A_357 = arith.constant 16 : index
        %get3A_358 = tpu.vector_load %arg7[%get3A_356, %get3A_357] {strides = array<i32>} : memref<128x64xf32, #tpu.memory_space<vmem>>, vector<1x16xf32>,
        %get3A_359 = vector.shape_cast %get3A_358 : vector<1x16xf32> to vector<16xf32>
        %swap3A_360 = arith.index_cast %scan3A_346 : i32 to index
        %swap3A_361 = arith.constant 16 : index
        %swap3A_362 = tpu.vector_load %arg8[%swap3A_360, %swap3A_361] {strides = array<i32>} : memref<128x64xf32, #tpu.memory_space<vmem>>, vector<1x16xf32>,
        %swap3A_363 = vector.shape_cast %swap3A_362 : vector<1x16xf32> to vector<16xf32>
        %swap3A_364 = vector.shape_cast %get3A_359 : vector<16xf32> to vector<1x16xf32>
        tpu.vector_store %arg8[%swap3A_360, %swap3A_361], %swap3A_364 {add = true, strides = array<i32>} : memref<128x64xf32, #tpu.memory_space<vmem>>, vector<1x16xf32>,
        %get3A_365 = arith.index_cast %scan3A_346 : i32 to index
        %get3A_366 = arith.constant 32 : index
        %get3A_367 = tpu.vector_load %arg7[%get3A_365, %get3A_366] {strides = array<i32>} : memref<128x64xf32, #tpu.memory_space<vmem>>, vector<1x16xf32>,
        %get3A_368 = vector.shape_cast %get3A_367 : vector<1x16xf32> to vector<16xf32>
        %swap3A_369 = arith.index_cast %scan3A_346 : i32 to index
        %swap3A_370 = arith.constant 32 : index
        %swap3A_371 = tpu.vector_load %arg8[%swap3A_369, %swap3A_370] {strides = array<i32>} : memref<128x64xf32, #tpu.memory_space<vmem>>, vector<1x16xf32>,
        %swap3A_372 = vector.shape_cast %swap3A_371 : vector<1x16xf32> to vector<16xf32>
        %swap3A_373 = vector.shape_cast %get3A_368 : vector<16xf32> to vector<1x16xf32>
        tpu.vector_store %arg8[%swap3A_369, %swap3A_370], %swap3A_373 {add = true, strides = array<i32>} : memref<128x64xf32, #tpu.memory_space<vmem>>, vector<1x16xf32>,
        %get3A_374 = arith.index_cast %scan3A_346 : i32 to index
        %get3A_375 = arith.constant 48 : index
        %get3A_376 = tpu.vector_load %arg7[%get3A_374, %get3A_375] {strides = array<i32>} : memref<128x64xf32, #tpu.memory_space<vmem>>, vector<1x16xf32>,
        %get3A_377 = vector.shape_cast %get3A_376 : vector<1x16xf32> to vector<16xf32>
        %swap3A_378 = arith.index_cast %scan3A_346 : i32 to index
        %swap3A_379 = arith.constant 48 : index
        %swap3A_380 = tpu.vector_load %arg8[%swap3A_378, %swap3A_379] {strides = array<i32>} : memref<128x64xf32, #tpu.memory_space<vmem>>, vector<1x16xf32>,
        %swap3A_381 = vector.shape_cast %swap3A_380 : vector<1x16xf32> to vector<16xf32>
        %swap3A_382 = vector.shape_cast %get3A_377 : vector<16xf32> to vector<1x16xf32>
        tpu.vector_store %arg8[%swap3A_378, %swap3A_379], %swap3A_382 {add = true, strides = array<i32>} : memref<128x64xf32, #tpu.memory_space<vmem>>, vector<1x16xf32>,
        %scan3A_383 = arith.constant 0 : i32
        scf.yield %scan3A_383 : i32
      }
      %scan3A_65 = arith.constant 128 : i32
      %add3A_66 = arith.constant 2 : i32
      %add3A_67 = arith.addi %add3A_52, %add3A_66 : i32
      %lt3A_68 = arith.constant 200 : i32
      %lt3A_69 = arith.cmpi slt, %add3A_67, %lt3A_68 : i32
      %convert_element_type3A_70 = arith.extui %lt3A_69 : i1 to i32
      %cond3A_71 = arith.constant 0 : i32
      %cond3A_72 = arith.cmpi ne, %convert_element_type3A_70, %cond3A_71 : i32
      scf.if %cond3A_72 {
        %dma_start3A_74 = arith.constant 0 : i32
        %dma_start3A_75 = tpu.memref_slice %arg5[%add3A_67, %dma_start3A_74] : memref<200x128xi32, #tpu.memory_space<vmem>> -> memref<1x128xi32, #tpu.memory_space<vmem>>
        %dma_start3A_76 = tpu.memref_squeeze %dma_start3A_75 : memref<1x128xi32, #tpu.memory_space<vmem>> -> memref<128xi32, #tpu.memory_space<vmem>>
        %dma_start3A_77 = arith.constant 0 : i32
        %dma_start3A_78 = arith.constant 0 : i32
        %dma_start3A_79 = tpu.memref_slice %arg2[%dma_start3A_77, %dma_start3A_78] : memref<1000000x64xf32, #tpu.memory_space<hbm>> -> memref<1000000x64xf32, #tpu.memory_space<hbm>>
        tpu.enqueue_indirect_dma source(%dma_start3A_79 : memref<1000000x64xf32, #tpu.memory_space<hbm>>) target(%arg7 : memref<128x64xf32, #tpu.memory_space<vmem>>) offsets(%dma_start3A_76 : memref<128xi32, #tpu.memory_space<vmem>>) semaphore(%arg10 : memref<!tpu.dma_semaphore, #tpu.memory_space<semaphore_mem>>)
      } else {
      }
      %scan3A_73 = arith.constant 0 : i32
      scf.yield %scan3A_73 : i32
    }
    %scan3A_28 = arith.constant 100 : i32
    "tpu.region"() ({
      %run_scoped3A = tpu.sem_alloc : memref<!tpu.dma_semaphore, #tpu.memory_space<semaphore_mem>>
      %dma_start3A_29 = arith.constant 0 : i32
      %dma_start3A_30 = tpu.memref_slice %arg4[%mul3A_2, %dma_start3A_29] : memref<4096x64xf32, #tpu.memory_space<hbm>> -> memref<128x64xf32, #tpu.memory_space<hbm>>
      %dma_start3A_31 = arith.constant 0 : i32
      %dma_start3A_32 = tpu.memref_slice %arg4[%mul3A_2, %dma_start3A_31] : memref<4096x64xf32, #tpu.memory_space<hbm>> -> memref<128x64xf32, #tpu.memory_space<hbm>>
      tpu.enqueue_dma source(%arg8 : memref<128x64xf32, #tpu.memory_space<vmem>>) target(%dma_start3A_32 : memref<128x64xf32, #tpu.memory_space<hbm>>) target_semaphore(%run_scoped3A : memref<!tpu.dma_semaphore, #tpu.memory_space<semaphore_mem>>)
      %dma_wait3A = arith.constant 0 : i32
      %dma_wait3A_33 = tpu.memref_slice %arg4[%mul3A_2, %dma_wait3A] : memref<4096x64xf32, #tpu.memory_space<hbm>> -> memref<128x64xf32, #tpu.memory_space<hbm>>
      %dma_wait3A_34 = arith.constant 0 : i32
      %dma_wait3A_35 = tpu.memref_slice %arg4[%mul3A_2, %dma_wait3A_34] : memref<4096x64xf32, #tpu.memory_space<hbm>> -> memref<128x64xf32, #tpu.memory_space<hbm>>
      tpu.wait_dma2 semaphore(%run_scoped3A : memref<!tpu.dma_semaphore, #tpu.memory_space<semaphore_mem>>) src(%arg8 : memref<128x64xf32, #tpu.memory_space<vmem>>) dst(%dma_wait3A_35 : memref<128x64xf32, #tpu.memory_space<hbm>>)
      tpu.yield
    }) : () -> ()
    return
  }
}

module attributes {stable_mosaic.version = 14 : i64} {
  func.func @head(%arg0: memref<4096x64xf32, #tpu.memory_space<vmem>>, %arg1: memref<176x64xf32, #tpu.memory_space<vmem>>, %arg2: memref<1x176xf32, #tpu.memory_space<vmem>>, %arg3: memref<4096x176xf32, #tpu.memory_space<vmem>>) attributes {dimension_semantics = [], scalar_prefetch = 0 : i64, scratch_operands = 0 : i64, tpu.core_type = #tpu.core_type<tc>} {
    %get3A = arith.constant 0 : index
    %get3A_0 = arith.constant 0 : index
    %get3A_1 = vector.load %arg0[%get3A, %get3A_0] : memref<4096x64xf32, #tpu.memory_space<vmem>>, vector<4096x64xf32>
    %mul3A = arith.constant 5.000000e-03 : f32
    %mul3A_2 = vector.broadcast %mul3A : f32 to vector<4096x64xf32>
    %mul3A_3 = arith.mulf %get3A_1, %mul3A_2 : vector<4096x64xf32>
    %get3A_4 = arith.constant 0 : index
    %get3A_5 = arith.constant 0 : index
    %get3A_6 = vector.load %arg1[%get3A_4, %get3A_5] : memref<176x64xf32, #tpu.memory_space<vmem>>, vector<176x64xf32>
    %dot_general3A = arith.constant dense<0.000000e+00> : vector<4096x176xf32>
    %dot_general3A_7 = tpu.matmul %mul3A_3, %get3A_6, %dot_general3A {dimension_numbers = #tpu.dot_dimension_numbers<[1], [1], [0], [0], [0, 0, 1, 0], [], []>, transpose_lhs_hint = false} : vector<4096x64xf32>, vector<176x64xf32>, vector<4096x176xf32> -> vector<4096x176xf32>
    %get3A_8 = arith.constant 0 : index
    %get3A_9 = arith.constant 0 : index
    %get3A_10 = vector.load %arg2[%get3A_8, %get3A_9] : memref<1x176xf32, #tpu.memory_space<vmem>>, vector<1x176xf32>
    %add3A = vector.broadcast %get3A_10 : vector<1x176xf32> to vector<4096x176xf32>
    %add3A_11 = arith.addf %dot_general3A_7, %add3A : vector<4096x176xf32>
    %swap3A = arith.constant 0 : index
    %swap3A_12 = arith.constant 0 : index
    %swap3A_13 = vector.load %arg3[%swap3A, %swap3A_12] : memref<4096x176xf32, #tpu.memory_space<vmem>>, vector<4096x176xf32>
    tpu.vector_store %arg3[%swap3A, %swap3A_12], %add3A_11 {strides = array<i32>} : memref<4096x176xf32, #tpu.memory_space<vmem>>, vector<4096x176xf32>,
    return
  }
}

</mosaic_0001>

<sc_bundles>
// kernel: kernel.4.cloned.1.call-start
scs
__scs_entry_jumppad:
0x0: {  	(pc) =	sbr.rel $0x88, $3  }
0x1: {  	(tag) =	ssettag $0x0;
	lr =	simm.s32 $0x1  }
0x2: {  	[smem:$0x3F9D] =	sst lr;
	_ =	strace $0xD0000000  }
0x3: {  	_ = 	snop  }
0x4: {  	_ = 	snop  }
0x5: {  	_ = 	snop  }
0x6: {  	_ = 	snop  }
0x7: {  	_ = 	snop  }
__scs_overlays_trampoline_lowered:
0x8: {  	[smem:$0x3FAC] =	sst s0  }
0x9: {  	[smem:$0x3FAD] =	sst s1  }
0xa: {  	[smem:$0x3FAE] =	sst s2  }
0xb: {  	[smem:$0x3FAF] =	sst s3  }
0xc: {  	[smem:$0x3FB0] =	sst s4  }
0xd: {  	[smem:$0x3FB1] =	sst s5  }
0xe: {  	[smem:$0x3FB2] =	sst s6  }
0xf: {  	[smem:$0x3FB3] =	sst s7  }
0x10: {  	[smem:$0x3FB4] =	sst s8  }
0x11: {  	[smem:$0x3FB5] =	sst s9;
	s0 =	simm.s32 @!p0 $0x0  }
0x12: {  	s1 =	sld [smem:$0x3F9B];
	s0 =	simm.s32 @p0 $0x1  }
0x13: {  	[smem:$0x3FB6] =	sst s0;
	s0 =	simm.s32 @!p1 $0x0  }
0x14: {  	s2 =	sld [smem:$0x3F9A];
	s0 =	simm.s32 @p1 $0x1  }
0x15: {  	[smem:$0x3FB7] =	sst s0;
	s0 =	simm.s32 @!p2 $0x0  }
0x16: {  	s3 =	sld [smem:$0x3FDB];
	s0 =	simm.s32 @p2 $0x1  }
0x17: {  	s4 =	simm.s32 $0x1BF5;
	[smem:$0x3FB9] =	sst s0  }
0x18: {  	s0 =	sld [smem:$0x3F9C];
	_ =	swait.ge [sflag:s4], $0x0  }
0x19: {  	s7 =	sld [smem:$0x3F9D]  }
0x1a: {  	s8 =	sadd.s32 $0xFFFFE003, lr  }
0x1b: {  	s9 =	sadd.s32 $0xFFFFFEF7, lr;
	s5 =	simm.s32 $0xFFFFFFFF;
	p2 =	slt.u32 s8, $0xFFFFF086  }
0x1c: {  	p1 =	slt.u32 s9, $0xF7A;
	s5 =	simm.s32 @!p2 $0x0  }
0x1d: {  	s5 =	simm.s32 @p1 $0x1;
	p0 =	seq.s32 s7, s2  }
0x1e: {  	s7 =	smul.u32 @!p0 $0xF7A, s2;
	p2 =	seq.s32 @!p0 s5, $0x0  }
0x1f: {  	s9 =	smul.u32 $0xF7A, s1;
	s8 =	simm.s32 @!p0 $0x1BF5;
	p2 =	por !p2, p0  }
0x20: {  	[sflag:s8] =	ssyncset.s32 @!p0 $0xFFFFF086;
	s6 =	sadd.s32 @!p0 s3, s7;
	s7 =	simm.s32 @!p0 $0x108  }
0x21: {  	s3 =	sadd.s32 s3, s9;
	s6 =	sadd.s32 @!p0 $0x88, s6;
	s7 =	simm.s32 @p2 $0x1082  }
0x22: {  	[simem:s7], [sflag:s8] =	dma.local @!p0 [hbm:s6], $0xF7A  }
0x23: {  	s9 =	sor.u32 $0xD0000000, s2;
	s6 =	simm.s32 $0x108;
	_ =	swait.ge @!p0 [sflag:s8], $0x0  }
0x24: {  	s3 =	sadd.s32 $0x88, s3;
	s6 =	simm.s32 @!p1 $0x1082;
	[sflag:s4] =	ssyncset.s32 $0xFFFFF086  }
0x25: {  	[simem:s6], [sflag:s4] =	dma.local [hbm:s3], $0xF7A  }
0x26: {  	[smem:$0x3F9D] =	sst s1;
	(tag) =	ssettag s2;
	_ =	strace s9  }
0x27: {  	s1 =	sld [smem:$0x3FAD]  }
0x28: {  	s2 =	sld [smem:$0x3FAE]  }
0x29: {  	s4 =	sld [smem:$0x3FB0]  }
0x2a: {  	p0 =	seq.s32 s5, $0x0;
	s5 =	sld [smem:$0x3FB1]  }
0x2b: {  	s6 =	sld [smem:$0x3FB2]  }
0x2c: {  	s7 =	sld [smem:$0x3FB3]  }
0x2d: {  	s3 =	simm.s32 $0x108;
	s8 =	sld [smem:$0x3FB4]  }
0x2e: {  	s3 =	simm.s32 @!p0 $0x1082;
	s9 =	sld [smem:$0x3FB5]  }
0x2f: {  	lr =	sadd.s32 s0, s3;
	s0 =	sld [smem:$0x3FAC]  }
0x30: {  	s3 =	sld [smem:$0x3FAF]  }
0x31: {  	[smem:$0x3FB8] =	sst s10  }
0x32: {  	s10 =	sld [smem:$0x3FB6];
	_ =	sdelay $0x3  }
0x33: {  	p0 =	seq.s32 s10, $0x1;
	s10 =	sld [smem:$0x3FB8];
	_ =	sdelay $0x3  }
0x34: {  	[smem:$0x3FB8] =	sst s10  }
0x35: {  	s10 =	sld [smem:$0x3FB7];
	_ =	sdelay $0x3  }
0x36: {  	p1 =	seq.s32 s10, $0x1;
	s10 =	sld [smem:$0x3FB8];
	_ =	sdelay $0x3  }
0x37: {  	[smem:$0x3FB8] =	sst s10  }
0x38: {  	s10 =	sld [smem:$0x3FB9]  }
0x39: {  	_ = 	snop;
	(pc) =	sbr.ind lr, $3  }
0x3a: {  	_ = 	snop  }
0x3b: {  	_ = 	snop  }
0x3c: {  	p2 =	seq.s32 s10, $0x1;
	s10 =	sld [smem:$0x3FB8]  }
0x3d: {  	_ =	shalt  }
0x3e: {  	_ =	shalt  }
0x3f: {  	_ =	shalt  }
0x40: {  	_ =	shalt  }
0x41: {  	_ =	shalt  }
0x42: {  	_ =	shalt  }
0x43: {  	_ =	shalt  }
0x44: {  	_ =	shalt  }
0x45: {  	_ =	shalt  }
0x46: {  	_ =	shalt  }
0x47: {  	_ =	shalt  }
0x48: {  	_ =	shalt  }
0x49: {  	_ =	shalt  }
0x4a: {  	_ =	shalt  }
0x4b: {  	_ =	shalt  }
0x4c: {  	_ =	shalt  }
0x4d: {  	_ =	shalt  }
0x4e: {  	_ =	shalt  }
0x4f: {  	_ =	shalt  }
0x50: {  	_ =	shalt  }
0x51: {  	_ =	shalt  }
0x52: {  	_ =	shalt  }
0x53: {  	_ =	shalt  }
0x54: {  	_ =	shalt  }
0x55: {  	_ =	shalt  }
0x56: {  	_ =	shalt  }
0x57: {  	_ =	shalt  }
0x58: {  	_ =	shalt  }
0x59: {  	_ =	shalt  }
0x5a: {  	_ =	shalt  }
0x5b: {  	_ =	shalt  }
0x5c: {  	_ =	shalt  }
0x5d: {  	_ =	shalt  }
0x5e: {  	_ =	shalt  }
0x5f: {  	_ =	shalt  }
0x60: {  	_ =	shalt  }
0x61: {  	_ =	shalt  }
0x62: {  	_ =	shalt  }
0x63: {  	_ =	shalt  }
0x64: {  	_ =	shalt  }
0x65: {  	_ =	shalt  }
0x66: {  	_ =	shalt  }
0x67: {  	_ =	shalt  }
0x68: {  	_ =	shalt  }
0x69: {  	_ =	shalt  }
0x6a: {  	_ =	shalt  }
0x6b: {  	_ =	shalt  }
0x6c: {  	_ =	shalt  }
0x6d: {  	_ =	shalt  }
0x6e: {  	_ =	shalt  }
0x6f: {  	_ =	shalt  }
0x70: {  	_ =	shalt  }
0x71: {  	_ =	shalt  }
0x72: {  	_ =	shalt  }
0x73: {  	_ =	shalt  }
0x74: {  	_ =	shalt  }
0x75: {  	_ =	shalt  }
0x76: {  	_ =	shalt  }
0x77: {  	_ =	shalt  }
0x78: {  	_ =	shalt  }
0x79: {  	_ =	shalt  }
0x7a: {  	_ =	shalt  }
0x7b: {  	_ =	shalt  }
0x7c: {  	_ =	shalt  }
0x7d: {  	_ =	shalt  }
0x7e: {  	_ =	shalt  }
0x7f: {  	_ =	shalt  }
0x80: {  	_ =	shalt  }
0x81: {  	_ =	shalt  }
0x82: {  	_ =	shalt  }
0x83: {  	_ =	shalt  }
0x84: {  	_ =	shalt  }
0x85: {  	_ =	shalt  }
0x86: {  	_ =	shalt  }
0x87: {  	_ =	shalt  }
.Lfunc_end0:
.L_simem_size_0:
called_computation_lowered:
.L_overlay_start_0:
0x88: {  	s2 =	sld [smem:$0x3FD9]  }
0x89: {  	s3 =	sld [smem:$0x3FFE];
	_ =	sdelay $0x1  }
0x8a: {  	s1 =	srdreg.scid  }
0x8b: {  	s0 =	sand.u32 $0x1, s1  }
0x8c: {  	s17 =	sshll.u32 s0, $0xA;
	s2 =	sadd.s32 s3, s2  }
0x8d: {  	s2 =	sadd.s32 s2, s17  }
0x8e: {  	[smem:$0x3FC4] =	sst s2  }
0x8f: {  	_ = 	snop  }
0x90: {  	s2 =	sld [smem:$0x3FD0];
	(tm) =	ssettm $0x1  }
0x91: {  	s18 =	sld [smem:$0x3FFB];
	_ =	sdelay $0x3  }
0x92: {  	_ =	strace s18  }
0x93: {  	s3 =	sld [smem:$0x3FFC];
	_ =	sdelay $0x3  }
0x94: {  	_ =	strace s3  }
0x95: {  	s3 =	sld [smem:$0x3FFD];
	_ =	sdelay $0x3  }
0x96: {  	_ =	strace s3  }
0x97: {  	_ =	strace $0x8FFFFFFF  }
0x98: {  	s19 =	sld [smem:$0x3FDB];
	_ =	sdelay $0x1  }
0x99: {  	s4 =	simm.s32 $_scs_section_size  }
0x9a: {  	s5 =	simm.s32 $_size__tile_overlayer_lowered;
	s6 =	simm.s32 $_tile_overlayer_lowered  }
0x9b: {  	s22 =	simm.s32 $0x1BFF;
	s21 =	sshll.u32 s6, $0x1;
	s3 =	sadd.s32 s4, s19  }
0x9c: {  	s7 =	simm.s32 $0x0;
	s20 =	sshll.u32 s5, $0x1;
	s5 =	sadd.s32 s21, s3  }
0x9d: {  	[timem:s7], [sflag:s22] =	dma.local [hbm:s5], s20  }
0x9e: {  	_ =	swait.ge [sflag:s22], s20  }
0x9f: {  	s4 =	ssub.s32 $0x0, s20;
	[sflag:s22] =	ssyncset.done $0x0  }
0xa0: {  	[sflag:s22] =	ssyncadd.s32 s4;
	_ =	sdelay $0x1  }
0xa1: {  	s23 =	simm.s32 $0x1B8B  }
0xa2: {  	_ =	swait.ge [sflag:s23], $0x1  }
0xa3: {  	[sflag:s23] =	ssyncset.done $0x0  }
0xa4: {  	s25 =	simm.s32 $0x1B8E;
	s24 =	sld [smem:$0x3FFE];
	[sflag:s23] =	ssyncadd.s32 $0xFFFFFFFF  }
0xa5: {  	s26 =	simm.s32 $execute0_lowered;
	[smem:$0x3FD2] =	sst s25  }
0xa6: {  	s5 =	sshll.u32 s26, $0x1;
	_ =	strace $0x80000046;
	[dreg:$0x1] =	wrdreg $0xFFFFFFFF  }
0xa7: {  	s28 =	simm.s32 $_size_execute0_lowered;
	s3 =	sadd.s32 s3, s5;
	[dreg:$0x0] =	wrdreg $0x0  }
0xa8: {  	s5 =	sshll.u32 s28, $0x1;
	[dreg:$0x2] =	wrdreg s3  }
0xa9: {  	[dreg:$0x3] =	wrdreg s5  }
0xaa: {  	[dreg:$0x4] =	wrdreg $0xC0  }
0xab: {  	_ =	task [dreg:s7], $0x5FFFF  }
0xac: {  	[dreg:$0x1] =	wrdreg $0xFFFFFFFF  }
0xad: {  	[dreg:$0x0] =	wrdreg $0x60  }
0xae: {  	[dreg:$0x2] =	wrdreg s24  }
0xaf: {  	[dreg:$0x3] =	wrdreg s2  }
0xb0: {  	[dreg:$0x4] =	wrdreg $0x9  }
0xb1: {  	_ =	task.clear_ibuf [dreg:s7], $0x5FFFF;
	_ =	strace $0x90000046  }
0xb2: {  	s29 =	simm.s32 $0x9;
	_ =	strace $0x80000048  }
0xb3: {  	_ =	swait.ge [sflag:s29], $0x1  }
0xb4: {  	[sflag:s29] =	ssyncadd.s32 $0xFFFFFFFF  }
0xb5: {  	_ =	strace $0x90000048  }
0xb6: {  	_ =	sfence  }
0xb7: {  	s30 =	sld [smem:$0x0];
	_ =	sdelay $0x2  }
0xb8: {  	s31 =	sshll.u32 s1, $0xD;
	s1 =	sshrl.u32 s1, $0x2  }
0xb9: {  	s3 =	sand.u32 $0x4000, s31;
	s1 =	sadd.s32 s1, s30  }
0xba: {  	s0 =	sor.u32 s3, s0;
	s1 =	sshll.u32 s1, $0x11  }
0xbb: {  	s0 =	sor.u32 s1, s0  }
0xbc: {  	s0 =	sadd.s32 $0x8F2B, s0  }
0xbd: {  	[sflag:s0] =	ssyncadd.remote.s32 $0x1  }
0xbe: {  	_ =	sfence.sel $0xFFFF  }
0xbf: {  	[dreg:$0x0] =	wrdreg $0xFFFFFFFF;
	(pc) =	sbr.abs _section_cstart, $3  }
0xc0: {  	[dreg:$0x1] =	wrdreg $0xFFFFFFFF  }
0xc1: {  	_ =	task.clear_ibuf [dreg:s7], $0x2FFFF;
	_ =	strace $0x9FFFFFFF  }
0xc2: {  	(tm) =	ssettm $0x7FFFFFFF  }
0xc3: {  	_ =	shalt  }
tec
execute0_lowered:
.L_overlay_start_1:
0x0: {  	(tag) =	ssettag $0x1  }
0x1: {  	s4 =	rddreg [dreg:$0x0]  }
0x2: {  	s5 =	rddreg [dreg:$0x1]  }
0x3: {  	s0 =	rddreg [dreg:$0x2];
	s3 =	srdreg.scid;
	s2 =	simm.s32 $0x0  }
0x4: {  	s1 =	stileid.u32;
	s10 =	simm.s32 $0x6400;
	s11 =	simm.s32 $0x8400  }
0x5: {  	s12 =	simm.s32 $0x1;
	s13 =	simm.s32 $0x2;
	s14 =	simm.s32 $0xA400  }
0x6: {  	s15 =	simm.s32 $0x0;
	s3 =	sand.u32 $0x1, s3;
	[smem:$0x7FF] =	sst s2  }
0x7: {  	s6 =	sshll.u32 s1, $0x8;
	s7 =	sshll.u32 s3, $0x7;
	_ =	strace $0x80000047  }
.Ltmp0:
0x8: {  	s31 =	ssub.s32 $0x2, s3;
	s6 =	sor.u32 s7, s6;
	(pc) =	sbr.rel .LBB2_1-.Ltmp0, $4  }
0x9: {  	s3 =	sadd.s32 $0xF42E00, s4;
	s9 =	sshrl.u32 s31, $0x1;
	s8 =	sshrl.u32 s6, $0x3  }
0xa: {  	s7 =	ssub.s32 s31, s9;
	s6 =	sshll.u32 s6, $0x3;
	s9 =	simm.s32 $0x3  }
0xb: {  	s4 =	sadd.s32 s8, s4;
	s5 =	sadd.s32 s5, s6;
	s6 =	smax.u32 s7, $0x1  }
0xc: {  	v0 =	vimm.f32 $0.0e+00;
	s7 =	simm.s32 $0x80;
	s8 =	simm.s32 $0x1000;
	s4 =	sadd.s32 $0xA00, s4  }
.LBB2_10:
0xd: {  	s15 =	sadd.s32 $0x1, s15  }
0xe: {  	p0 =	sne.s32 s15, s6  }
.Ltmp1:
0xf: {  	_ = 	snop;
	(pc) =	sbr.rel @!p0 .LBB2_11-.Ltmp1, $4  }
0x10: {  	[hbm4b:s5+s2] =	stream.linear.scatter [tilespmem:s14], [sflag:$0x3], $0x2000, $0x38;
	[tilespmem:$0xC400] =	vst v63  }
0x11: {  	_ =	swait.ge [sflag:s9], $0x2000  }
0x12: {  	[sflag:s9] =	ssyncset.done $0x0  }
0x13: {  	[sflag:s9] =	ssyncadd.s32 $0xFFFFE000  }
.LBB2_1:
0x14: {  	[tilespmem:s2], [sflag:$0x3] =	stream.strided.gather [hbm4b:s4+s7], $0x6400, s8, s7, $0x38;
	[tilespmem:$0xC400] =	vst v63  }
0x15: {  	_ =	swait.ge [sflag:s9], $0x6400  }
0x16: {  	[sflag:s9] =	ssyncset.done $0x0  }
0x17: {  	[sflag:s9] =	ssyncadd.s32 $0xFFFF9C00  }
0x18: {  	[tilespmem:s10], [sflag:$0x1] =	stream.indirect.gather [hbm4b:s3+s7], $0x40, s2, s7, $0xb8;
	[tilespmem:$0xC400] =	vst v63  }
0x19: {  	s16 =	simm.s32 $0xA500  }
0x1a: {  	[tilespmem:s11], [sflag:$0x2] =	stream.indirect.gather [hbm4b:s3+s7], $0x40, s7, s7, $0xb8;
	[tilespmem:$0xC400] =	vst v63  }
0x1b: {  	[tilespmem:s16+$0xFFFFFF00] =	vst v0  }
0x1c: {  	[tilespmem:s16+$0xF0] =	vst v0  }
0x1d: {  	[tilespmem:s16+$0xE0] =	vst v0  }
0x1e: {  	[tilespmem:s16+$0xD0] =	vst v0  }
0x1f: {  	[tilespmem:s16+$0xC0] =	vst v0  }
0x20: {  	[tilespmem:s16+$0xB0] =	vst v0  }
0x21: {  	[tilespmem:s16+$0xA0] =	vst v0  }
0x22: {  	[tilespmem:s16+$0x90] =	vst v0  }
0x23: {  	[tilespmem:s16+$0x80] =	vst v0  }
0x24: {  	[tilespmem:s16+$0x70] =	vst v0  }
0x25: {  	[tilespmem:s16+$0x60] =	vst v0  }
0x26: {  	[tilespmem:s16+$0x50] =	vst v0  }
0x27: {  	[tilespmem:s16+$0x40] =	vst v0  }
0x28: {  	[tilespmem:s16+$0x30] =	vst v0  }
0x29: {  	[tilespmem:s16+$0x20] =	vst v0  }
0x2a: {  	[tilespmem:s16+$0x10] =	vst v0  }
0x2b: {  	[tilespmem:s16+$0x0] =	vst v0  }
0x2c: {  	[tilespmem:s16+$0xFFFFFFF0] =	vst v0  }
0x2d: {  	[tilespmem:s16+$0xFFFFFFE0] =	vst v0  }
0x2e: {  	[tilespmem:s16+$0xFFFFFFD0] =	vst v0  }
0x2f: {  	[tilespmem:s16+$0xFFFFFFC0] =	vst v0  }
0x30: {  	[tilespmem:s16+$0xFFFFFFB0] =	vst v0  }
0x31: {  	[tilespmem:s16+$0xFFFFFFA0] =	vst v0  }
0x32: {  	[tilespmem:s16+$0xFFFFFF90] =	vst v0  }
0x33: {  	[tilespmem:s16+$0xFFFFFF80] =	vst v0  }
0x34: {  	[tilespmem:s16+$0xFFFFFF70] =	vst v0  }
0x35: {  	[tilespmem:s16+$0xFFFFFF60] =	vst v0  }
0x36: {  	[tilespmem:s16+$0xFFFFFF50] =	vst v0  }
0x37: {  	[tilespmem:s16+$0xFFFFFF40] =	vst v0  }
0x38: {  	[tilespmem:s16+$0xFFFFFF30] =	vst v0  }
0x39: {  	s17 =	simm.s32 $0x0;
	[tilespmem:s16+$0xFFFFFF20] =	vst v0  }
.LBB2_2:
0x3a: {  	s17 =	sadd.s32 $0x8, s17;
	[tilespmem:s16+$0xFFFFFF10] =	vst v0;
	s16 =	sadd.s32 $0x200, s16  }
0x3b: {  	[tilespmem:s16+$0xFFFFFF00] =	vst v0;
	p0 =	slt.u32 s17, $0x78  }
0x3c: {  	[tilespmem:s16+$0xF0] =	vst v0  }
0x3d: {  	[tilespmem:s16+$0xE0] =	vst v0  }
0x3e: {  	[tilespmem:s16+$0xD0] =	vst v0  }
0x3f: {  	[tilespmem:s16+$0xC0] =	vst v0  }
0x40: {  	[tilespmem:s16+$0xB0] =	vst v0  }
0x41: {  	[tilespmem:s16+$0xA0] =	vst v0  }
0x42: {  	[tilespmem:s16+$0x90] =	vst v0  }
0x43: {  	[tilespmem:s16+$0x80] =	vst v0  }
0x44: {  	[tilespmem:s16+$0x70] =	vst v0  }
0x45: {  	[tilespmem:s16+$0x60] =	vst v0  }
0x46: {  	[tilespmem:s16+$0x50] =	vst v0  }
0x47: {  	[tilespmem:s16+$0x40] =	vst v0  }
0x48: {  	[tilespmem:s16+$0x30] =	vst v0  }
0x49: {  	[tilespmem:s16+$0x20] =	vst v0  }
0x4a: {  	[tilespmem:s16+$0x10] =	vst v0  }
0x4b: {  	[tilespmem:s16+$0x0] =	vst v0  }
0x4c: {  	[tilespmem:s16+$0xFFFFFFF0] =	vst v0  }
0x4d: {  	[tilespmem:s16+$0xFFFFFFE0] =	vst v0  }
0x4e: {  	[tilespmem:s16+$0xFFFFFFD0] =	vst v0  }
0x4f: {  	[tilespmem:s16+$0xFFFFFFC0] =	vst v0  }
0x50: {  	[tilespmem:s16+$0xFFFFFFB0] =	vst v0  }
0x51: {  	[tilespmem:s16+$0xFFFFFFA0] =	vst v0  }
0x52: {  	[tilespmem:s16+$0xFFFFFF90] =	vst v0  }
0x53: {  	[tilespmem:s16+$0xFFFFFF80] =	vst v0  }
0x54: {  	[tilespmem:s16+$0xFFFFFF70] =	vst v0  }
.Ltmp2:
0x55: {  	[tilespmem:s16+$0xFFFFFF60] =	vst v0;
	(pc) =	sbr.rel @p0 .LBB2_2-.Ltmp2, $4  }
0x56: {  	[tilespmem:s16+$0xFFFFFF50] =	vst v0  }
0x57: {  	[tilespmem:s16+$0xFFFFFF40] =	vst v0  }
0x58: {  	[tilespmem:s16+$0xFFFFFF30] =	vst v0  }
0x59: {  	[tilespmem:s16+$0xFFFFFF20] =	vst v0  }
0x5a: {  	[tilespmem:s16+$0xFFFFFF10] =	vst v0;
	s16 =	simm.s32 $0x0  }
.LBB2_4:
0x5b: {  	_ =	swait.ge [sflag:s12], $0x2000  }
0x5c: {  	[sflag:s12] =	ssyncset.done $0x0  }
0x5d: {  	s18 =	simm.s32 $0x0;
	[sflag:s12] =	ssyncadd.s32 $0xFFFFE000  }
0x5e: {  	v1 =	vld [tilespmem:s18+$0x65F0]  }
0x5f: {  	v2 =	vld [tilespmem:s18+$0x6400]  }
0x60: {  	v3 =	vld [tilespmem:s18+$0x6410]  }
0x61: {  	v4 =	vld [tilespmem:s18+$0x6420]  }
0x62: {  	v5 =	vld [tilespmem:s18+$0x6430]  }
0x63: {  	v6 =	vld [tilespmem:s18+$0x6440]  }
0x64: {  	v7 =	vld [tilespmem:s18+$0x6450]  }
0x65: {  	v8 =	vld [tilespmem:s18+$0x6460]  }
0x66: {  	v9 =	vld [tilespmem:s18+$0x6470]  }
0x67: {  	v10 =	vld [tilespmem:s18+$0x6480]  }
0x68: {  	v11 =	vld [tilespmem:s18+$0x6490]  }
0x69: {  	v12 =	vld [tilespmem:s18+$0x64A0]  }
0x6a: {  	v13 =	vld [tilespmem:s18+$0x64B0]  }
0x6b: {  	v14 =	vld [tilespmem:s18+$0x64C0]  }
0x6c: {  	v15 =	vld [tilespmem:s18+$0x64D0]  }
0x6d: {  	v16 =	vld [tilespmem:s18+$0x64E0]  }
0x6e: {  	v17 =	vld [tilespmem:s18+$0x64F0]  }
0x6f: {  	v18 =	vld [tilespmem:s18+$0x6500]  }
0x70: {  	v19 =	vld [tilespmem:s18+$0x6510]  }
0x71: {  	v20 =	vld [tilespmem:s18+$0x6520]  }
0x72: {  	v21 =	vld [tilespmem:s18+$0x6530]  }
0x73: {  	v22 =	vld [tilespmem:s18+$0x6540]  }
0x74: {  	v23 =	vld [tilespmem:s18+$0x6550]  }
0x75: {  	v24 =	vld [tilespmem:s18+$0x6560]  }
0x76: {  	v25 =	vld [tilespmem:s18+$0x6570]  }
0x77: {  	v26 =	vld [tilespmem:s18+$0x6580]  }
0x78: {  	v27 =	vld [tilespmem:s18+$0x6590]  }
0x79: {  	v28 =	vld [tilespmem:s18+$0x65A0]  }
0x7a: {  	v29 =	vld [tilespmem:s18+$0x65B0]  }
0x7b: {  	v30 =	vld [tilespmem:s18+$0x65C0]  }
0x7c: {  	v31 =	vld [tilespmem:s18+$0x65D0]  }
0x7d: {  	[tilespmem:s18+$0xA5F0] =	vst.add.f32.msk $0xffff, v1  }
0x7e: {  	v1 =	vld [tilespmem:s18+$0x65E0]  }
0x7f: {  	[tilespmem:s18+$0xA400] =	vst.add.f32.msk $0xffff, v2  }
0x80: {  	[tilespmem:s18+$0xA410] =	vst.add.f32.msk $0xffff, v3  }
0x81: {  	[tilespmem:s18+$0xA420] =	vst.add.f32.msk $0xffff, v4  }
0x82: {  	[tilespmem:s18+$0xA430] =	vst.add.f32.msk $0xffff, v5  }
0x83: {  	[tilespmem:s18+$0xA440] =	vst.add.f32.msk $0xffff, v6  }
0x84: {  	[tilespmem:s18+$0xA450] =	vst.add.f32.msk $0xffff, v7  }
0x85: {  	[tilespmem:s18+$0xA460] =	vst.add.f32.msk $0xffff, v8  }
0x86: {  	[tilespmem:s18+$0xA470] =	vst.add.f32.msk $0xffff, v9  }
0x87: {  	[tilespmem:s18+$0xA480] =	vst.add.f32.msk $0xffff, v10  }
0x88: {  	[tilespmem:s18+$0xA490] =	vst.add.f32.msk $0xffff, v11  }
0x89: {  	[tilespmem:s18+$0xA4A0] =	vst.add.f32.msk $0xffff, v12  }
0x8a: {  	[tilespmem:s18+$0xA4B0] =	vst.add.f32.msk $0xffff, v13  }
0x8b: {  	[tilespmem:s18+$0xA4C0] =	vst.add.f32.msk $0xffff, v14  }
0x8c: {  	[tilespmem:s18+$0xA4D0] =	vst.add.f32.msk $0xffff, v15  }
0x8d: {  	[tilespmem:s18+$0xA4E0] =	vst.add.f32.msk $0xffff, v16  }
0x8e: {  	[tilespmem:s18+$0xA4F0] =	vst.add.f32.msk $0xffff, v17  }
0x8f: {  	[tilespmem:s18+$0xA500] =	vst.add.f32.msk $0xffff, v18  }
0x90: {  	[tilespmem:s18+$0xA510] =	vst.add.f32.msk $0xffff, v19  }
0x91: {  	[tilespmem:s18+$0xA520] =	vst.add.f32.msk $0xffff, v20  }
0x92: {  	[tilespmem:s18+$0xA530] =	vst.add.f32.msk $0xffff, v21  }
0x93: {  	[tilespmem:s18+$0xA540] =	vst.add.f32.msk $0xffff, v22  }
0x94: {  	[tilespmem:s18+$0xA550] =	vst.add.f32.msk $0xffff, v23  }
0x95: {  	[tilespmem:s18+$0xA560] =	vst.add.f32.msk $0xffff, v24  }
0x96: {  	[tilespmem:s18+$0xA570] =	vst.add.f32.msk $0xffff, v25  }
0x97: {  	[tilespmem:s18+$0xA580] =	vst.add.f32.msk $0xffff, v26  }
0x98: {  	[tilespmem:s18+$0xA590] =	vst.add.f32.msk $0xffff, v27  }
0x99: {  	[tilespmem:s18+$0xA5A0] =	vst.add.f32.msk $0xffff, v28  }
0x9a: {  	[tilespmem:s18+$0xA5B0] =	vst.add.f32.msk $0xffff, v29  }
0x9b: {  	[tilespmem:s18+$0xA5C0] =	vst.add.f32.msk $0xffff, v30  }
0x9c: {  	s17 =	simm.s32 $0x0;
	s19 =	simm.s32 $0x800;
	[tilespmem:s18+$0xA5D0] =	vst.add.f32.msk $0xffff, v31  }
.LBB2_5:
0x9d: {  	s17 =	sadd.s32 $0x8, s17;
	[tilespmem:s18+$0xA5E0] =	vst.add.f32.msk $0xffff, v1;
	s18 =	sshra.s32 s19, $0x2  }
0x9e: {  	v1 =	vld [tilespmem:s18+$0x65F0];
	p0 =	slt.u32 s17, $0x78  }
0x9f: {  	v2 =	vld [tilespmem:s18+$0x6400]  }
0xa0: {  	v3 =	vld [tilespmem:s18+$0x6410]  }
0xa1: {  	v4 =	vld [tilespmem:s18+$0x6420]  }
0xa2: {  	v5 =	vld [tilespmem:s18+$0x6430]  }
0xa3: {  	[tilespmem:s18+$0xA5F0] =	vst.add.f32.msk $0xffff, v1  }
0xa4: {  	v6 =	vld [tilespmem:s18+$0x6440]  }
0xa5: {  	v7 =	vld [tilespmem:s18+$0x6450]  }
0xa6: {  	v8 =	vld [tilespmem:s18+$0x6460]  }
0xa7: {  	v9 =	vld [tilespmem:s18+$0x6470]  }
0xa8: {  	v10 =	vld [tilespmem:s18+$0x6480]  }
0xa9: {  	v11 =	vld [tilespmem:s18+$0x6490]  }
0xaa: {  	v12 =	vld [tilespmem:s18+$0x64A0]  }
0xab: {  	v13 =	vld [tilespmem:s18+$0x64B0]  }
0xac: {  	v14 =	vld [tilespmem:s18+$0x64C0]  }
0xad: {  	v15 =	vld [tilespmem:s18+$0x64D0]  }
0xae: {  	v16 =	vld [tilespmem:s18+$0x64E0]  }
0xaf: {  	v17 =	vld [tilespmem:s18+$0x64F0]  }
0xb0: {  	v18 =	vld [tilespmem:s18+$0x6500]  }
0xb1: {  	v19 =	vld [tilespmem:s18+$0x6510]  }
0xb2: {  	v20 =	vld [tilespmem:s18+$0x6520]  }
0xb3: {  	v21 =	vld [tilespmem:s18+$0x6530]  }
0xb4: {  	v22 =	vld [tilespmem:s18+$0x6540]  }
0xb5: {  	v23 =	vld [tilespmem:s18+$0x6550]  }
0xb6: {  	v24 =	vld [tilespmem:s18+$0x6560]  }
0xb7: {  	v25 =	vld [tilespmem:s18+$0x6570]  }
0xb8: {  	v26 =	vld [tilespmem:s18+$0x6580]  }
0xb9: {  	v27 =	vld [tilespmem:s18+$0x6590]  }
0xba: {  	v28 =	vld [tilespmem:s18+$0x65A0]  }
0xbb: {  	v29 =	vld [tilespmem:s18+$0x65B0]  }
0xbc: {  	v30 =	vld [tilespmem:s18+$0x65C0]  }
0xbd: {  	v31 =	vld [tilespmem:s18+$0x65D0]  }
0xbe: {  	v1 =	vld [tilespmem:s18+$0x65E0]  }
0xbf: {  	[tilespmem:s18+$0xA400] =	vst.add.f32.msk $0xffff, v2  }
0xc0: {  	[tilespmem:s18+$0xA410] =	vst.add.f32.msk $0xffff, v3  }
0xc1: {  	[tilespmem:s18+$0xA420] =	vst.add.f32.msk $0xffff, v4  }
0xc2: {  	[tilespmem:s18+$0xA430] =	vst.add.f32.msk $0xffff, v5  }
0xc3: {  	[tilespmem:s18+$0xA440] =	vst.add.f32.msk $0xffff, v6  }
0xc4: {  	[tilespmem:s18+$0xA450] =	vst.add.f32.msk $0xffff, v7  }
0xc5: {  	[tilespmem:s18+$0xA460] =	vst.add.f32.msk $0xffff, v8  }
0xc6: {  	[tilespmem:s18+$0xA470] =	vst.add.f32.msk $0xffff, v9  }
0xc7: {  	[tilespmem:s18+$0xA480] =	vst.add.f32.msk $0xffff, v10  }
0xc8: {  	[tilespmem:s18+$0xA490] =	vst.add.f32.msk $0xffff, v11  }
0xc9: {  	[tilespmem:s18+$0xA4A0] =	vst.add.f32.msk $0xffff, v12  }
0xca: {  	[tilespmem:s18+$0xA4B0] =	vst.add.f32.msk $0xffff, v13  }
0xcb: {  	[tilespmem:s18+$0xA4C0] =	vst.add.f32.msk $0xffff, v14  }
0xcc: {  	[tilespmem:s18+$0xA4D0] =	vst.add.f32.msk $0xffff, v15  }
0xcd: {  	[tilespmem:s18+$0xA4E0] =	vst.add.f32.msk $0xffff, v16  }
0xce: {  	[tilespmem:s18+$0xA4F0] =	vst.add.f32.msk $0xffff, v17  }
0xcf: {  	[tilespmem:s18+$0xA500] =	vst.add.f32.msk $0xffff, v18  }
0xd0: {  	[tilespmem:s18+$0xA510] =	vst.add.f32.msk $0xffff, v19  }
0xd1: {  	[tilespmem:s18+$0xA520] =	vst.add.f32.msk $0xffff, v20  }
0xd2: {  	[tilespmem:s18+$0xA530] =	vst.add.f32.msk $0xffff, v21  }
0xd3: {  	[tilespmem:s18+$0xA540] =	vst.add.f32.msk $0xffff, v22  }
0xd4: {  	[tilespmem:s18+$0xA550] =	vst.add.f32.msk $0xffff, v23  }
0xd5: {  	[tilespmem:s18+$0xA560] =	vst.add.f32.msk $0xffff, v24  }
0xd6: {  	[tilespmem:s18+$0xA570] =	vst.add.f32.msk $0xffff, v25  }
0xd7: {  	[tilespmem:s18+$0xA580] =	vst.add.f32.msk $0xffff, v26  }
.Ltmp3:
0xd8: {  	[tilespmem:s18+$0xA590] =	vst.add.f32.msk $0xffff, v27;
	(pc) =	sbr.rel @p0 .LBB2_5-.Ltmp3, $4  }
0xd9: {  	[tilespmem:s18+$0xA5A0] =	vst.add.f32.msk $0xffff, v28  }
0xda: {  	[tilespmem:s18+$0xA5B0] =	vst.add.f32.msk $0xffff, v29  }
0xdb: {  	[tilespmem:s18+$0xA5C0] =	vst.add.f32.msk $0xffff, v30  }
0xdc: {  	s19 =	sadd.s32 $0x800, s19;
	[tilespmem:s18+$0xA5D0] =	vst.add.f32.msk $0xffff, v31  }
0xdd: {  	s17 =	sshll.u32 s16, $0xA;
	p0 =	seq.s32 s16, $0x63  }
0xde: {  	s19 =	sshrl.u32 @!p0 s17, $0x2  }
0xdf: {  	[tilespmem:s18+$0xA5E0] =	vst.add.f32.msk $0xffff, v1;
	s20 =	simm.s32 @!p0 $0x6400;
	s18 =	sadd.s32 @!p0 $0x100, s19;
	s19 =	simm.s32 @!p0 $0x80  }
0xe0: {  	[tilespmem:s20], [sflag:$0x1] =	stream.indirect.gather @!p0 [hbm4b:s3+s19], $0x40, s18, s19, $0xb8;
	[tilespmem:$0xC400] =	vst v63  }
0xe1: {  	_ =	swait.ge [sflag:s13], $0x2000  }
0xe2: {  	[sflag:s13] =	ssyncset.done $0x0  }
0xe3: {  	s18 =	simm.s32 $0x0;
	[sflag:s13] =	ssyncadd.s32 $0xFFFFE000  }
0xe4: {  	v1 =	vld [tilespmem:s18+$0x85F0]  }
0xe5: {  	v2 =	vld [tilespmem:s18+$0x8400]  }
0xe6: {  	v3 =	vld [tilespmem:s18+$0x8410]  }
0xe7: {  	v4 =	vld [tilespmem:s18+$0x8420]  }
0xe8: {  	v5 =	vld [tilespmem:s18+$0x8430]  }
0xe9: {  	v6 =	vld [tilespmem:s18+$0x8440]  }
0xea: {  	v7 =	vld [tilespmem:s18+$0x8450]  }
0xeb: {  	v8 =	vld [tilespmem:s18+$0x8460]  }
0xec: {  	v9 =	vld [tilespmem:s18+$0x8470]  }
0xed: {  	v10 =	vld [tilespmem:s18+$0x8480]  }
0xee: {  	v11 =	vld [tilespmem:s18+$0x8490]  }
0xef: {  	v12 =	vld [tilespmem:s18+$0x84A0]  }
0xf0: {  	v13 =	vld [tilespmem:s18+$0x84B0]  }
0xf1: {  	v14 =	vld [tilespmem:s18+$0x84C0]  }
0xf2: {  	v15 =	vld [tilespmem:s18+$0x84D0]  }
0xf3: {  	v16 =	vld [tilespmem:s18+$0x84E0]  }
0xf4: {  	v17 =	vld [tilespmem:s18+$0x84F0]  }
0xf5: {  	v18 =	vld [tilespmem:s18+$0x8500]  }
0xf6: {  	v19 =	vld [tilespmem:s18+$0x8510]  }
0xf7: {  	v20 =	vld [tilespmem:s18+$0x8520]  }
0xf8: {  	v21 =	vld [tilespmem:s18+$0x8530]  }
0xf9: {  	v22 =	vld [tilespmem:s18+$0x8540]  }
0xfa: {  	v23 =	vld [tilespmem:s18+$0x8550]  }
0xfb: {  	v24 =	vld [tilespmem:s18+$0x8560]  }
0xfc: {  	v25 =	vld [tilespmem:s18+$0x8570]  }
0xfd: {  	v26 =	vld [tilespmem:s18+$0x8580]  }
0xfe: {  	v27 =	vld [tilespmem:s18+$0x8590]  }
0xff: {  	v28 =	vld [tilespmem:s18+$0x85A0]  }
0x100: {  	v29 =	vld [tilespmem:s18+$0x85B0]  }
0x101: {  	v30 =	vld [tilespmem:s18+$0x85C0]  }
0x102: {  	v31 =	vld [tilespmem:s18+$0x85D0]  }
0x103: {  	[tilespmem:s18+$0xA5F0] =	vst.add.f32.msk $0xffff, v1  }
0x104: {  	v1 =	vld [tilespmem:s18+$0x85E0]  }
0x105: {  	[tilespmem:s18+$0xA400] =	vst.add.f32.msk $0xffff, v2  }
0x106: {  	[tilespmem:s18+$0xA410] =	vst.add.f32.msk $0xffff, v3  }
0x107: {  	[tilespmem:s18+$0xA420] =	vst.add.f32.msk $0xffff, v4  }
0x108: {  	[tilespmem:s18+$0xA430] =	vst.add.f32.msk $0xffff, v5  }
0x109: {  	[tilespmem:s18+$0xA440] =	vst.add.f32.msk $0xffff, v6  }
0x10a: {  	[tilespmem:s18+$0xA450] =	vst.add.f32.msk $0xffff, v7  }
0x10b: {  	[tilespmem:s18+$0xA460] =	vst.add.f32.msk $0xffff, v8  }
0x10c: {  	[tilespmem:s18+$0xA470] =	vst.add.f32.msk $0xffff, v9  }
0x10d: {  	[tilespmem:s18+$0xA480] =	vst.add.f32.msk $0xffff, v10  }
0x10e: {  	[tilespmem:s18+$0xA490] =	vst.add.f32.msk $0xffff, v11  }
0x10f: {  	[tilespmem:s18+$0xA4A0] =	vst.add.f32.msk $0xffff, v12  }
0x110: {  	[tilespmem:s18+$0xA4B0] =	vst.add.f32.msk $0xffff, v13  }
0x111: {  	[tilespmem:s18+$0xA4C0] =	vst.add.f32.msk $0xffff, v14  }
0x112: {  	[tilespmem:s18+$0xA4D0] =	vst.add.f32.msk $0xffff, v15  }
0x113: {  	[tilespmem:s18+$0xA4E0] =	vst.add.f32.msk $0xffff, v16  }
0x114: {  	[tilespmem:s18+$0xA4F0] =	vst.add.f32.msk $0xffff, v17  }
0x115: {  	[tilespmem:s18+$0xA500] =	vst.add.f32.msk $0xffff, v18  }
0x116: {  	[tilespmem:s18+$0xA510] =	vst.add.f32.msk $0xffff, v19  }
0x117: {  	[tilespmem:s18+$0xA520] =	vst.add.f32.msk $0xffff, v20  }
0x118: {  	[tilespmem:s18+$0xA530] =	vst.add.f32.msk $0xffff, v21  }
0x119: {  	[tilespmem:s18+$0xA540] =	vst.add.f32.msk $0xffff, v22  }
0x11a: {  	[tilespmem:s18+$0xA550] =	vst.add.f32.msk $0xffff, v23  }
0x11b: {  	[tilespmem:s18+$0xA560] =	vst.add.f32.msk $0xffff, v24  }
0x11c: {  	[tilespmem:s18+$0xA570] =	vst.add.f32.msk $0xffff, v25  }
0x11d: {  	[tilespmem:s18+$0xA580] =	vst.add.f32.msk $0xffff, v26  }
0x11e: {  	[tilespmem:s18+$0xA590] =	vst.add.f32.msk $0xffff, v27  }
0x11f: {  	[tilespmem:s18+$0xA5A0] =	vst.add.f32.msk $0xffff, v28  }
0x120: {  	[tilespmem:s18+$0xA5B0] =	vst.add.f32.msk $0xffff, v29  }
0x121: {  	[tilespmem:s18+$0xA5C0] =	vst.add.f32.msk $0xffff, v30  }
0x122: {  	s19 =	simm.s32 $0x0;
	s20 =	simm.s32 $0x800;
	[tilespmem:s18+$0xA5D0] =	vst.add.f32.msk $0xffff, v31  }
.LBB2_7:
0x123: {  	s19 =	sadd.s32 $0x8, s19;
	[tilespmem:s18+$0xA5E0] =	vst.add.f32.msk $0xffff, v1;
	s18 =	sshra.s32 s20, $0x2  }
0x124: {  	v1 =	vld [tilespmem:s18+$0x85F0];
	p1 =	slt.u32 s19, $0x78  }
0x125: {  	v2 =	vld [tilespmem:s18+$0x8400]  }
0x126: {  	v3 =	vld [tilespmem:s18+$0x8410]  }
0x127: {  	v4 =	vld [tilespmem:s18+$0x8420]  }
0x128: {  	v5 =	vld [tilespmem:s18+$0x8430]  }
0x129: {  	[tilespmem:s18+$0xA5F0] =	vst.add.f32.msk $0xffff, v1  }
0x12a: {  	v6 =	vld [tilespmem:s18+$0x8440]  }
0x12b: {  	v7 =	vld [tilespmem:s18+$0x8450]  }
0x12c: {  	v8 =	vld [tilespmem:s18+$0x8460]  }
0x12d: {  	v9 =	vld [tilespmem:s18+$0x8470]  }
0x12e: {  	v10 =	vld [tilespmem:s18+$0x8480]  }
0x12f: {  	v11 =	vld [tilespmem:s18+$0x8490]  }
0x130: {  	v12 =	vld [tilespmem:s18+$0x84A0]  }
0x131: {  	v13 =	vld [tilespmem:s18+$0x84B0]  }
0x132: {  	v14 =	vld [tilespmem:s18+$0x84C0]  }
0x133: {  	v15 =	vld [tilespmem:s18+$0x84D0]  }
0x134: {  	v16 =	vld [tilespmem:s18+$0x84E0]  }
0x135: {  	v17 =	vld [tilespmem:s18+$0x84F0]  }
0x136: {  	v18 =	vld [tilespmem:s18+$0x8500]  }
0x137: {  	v19 =	vld [tilespmem:s18+$0x8510]  }
0x138: {  	v20 =	vld [tilespmem:s18+$0x8520]  }
0x139: {  	v21 =	vld [tilespmem:s18+$0x8530]  }
0x13a: {  	v22 =	vld [tilespmem:s18+$0x8540]  }
0x13b: {  	v23 =	vld [tilespmem:s18+$0x8550]  }
0x13c: {  	v24 =	vld [tilespmem:s18+$0x8560]  }
0x13d: {  	v25 =	vld [tilespmem:s18+$0x8570]  }
0x13e: {  	v26 =	vld [tilespmem:s18+$0x8580]  }
0x13f: {  	v27 =	vld [tilespmem:s18+$0x8590]  }
0x140: {  	v28 =	vld [tilespmem:s18+$0x85A0]  }
0x141: {  	v29 =	vld [tilespmem:s18+$0x85B0]  }
0x142: {  	v30 =	vld [tilespmem:s18+$0x85C0]  }
0x143: {  	v31 =	vld [tilespmem:s18+$0x85D0]  }
0x144: {  	v1 =	vld [tilespmem:s18+$0x85E0]  }
0x145: {  	[tilespmem:s18+$0xA400] =	vst.add.f32.msk $0xffff, v2  }
0x146: {  	[tilespmem:s18+$0xA410] =	vst.add.f32.msk $0xffff, v3  }
0x147: {  	[tilespmem:s18+$0xA420] =	vst.add.f32.msk $0xffff, v4  }
0x148: {  	[tilespmem:s18+$0xA430] =	vst.add.f32.msk $0xffff, v5  }
0x149: {  	[tilespmem:s18+$0xA440] =	vst.add.f32.msk $0xffff, v6  }
0x14a: {  	[tilespmem:s18+$0xA450] =	vst.add.f32.msk $0xffff, v7  }
0x14b: {  	[tilespmem:s18+$0xA460] =	vst.add.f32.msk $0xffff, v8  }
0x14c: {  	[tilespmem:s18+$0xA470] =	vst.add.f32.msk $0xffff, v9  }
0x14d: {  	[tilespmem:s18+$0xA480] =	vst.add.f32.msk $0xffff, v10  }
0x14e: {  	[tilespmem:s18+$0xA490] =	vst.add.f32.msk $0xffff, v11  }
0x14f: {  	[tilespmem:s18+$0xA4A0] =	vst.add.f32.msk $0xffff, v12  }
0x150: {  	[tilespmem:s18+$0xA4B0] =	vst.add.f32.msk $0xffff, v13  }
0x151: {  	[tilespmem:s18+$0xA4C0] =	vst.add.f32.msk $0xffff, v14  }
0x152: {  	[tilespmem:s18+$0xA4D0] =	vst.add.f32.msk $0xffff, v15  }
0x153: {  	[tilespmem:s18+$0xA4E0] =	vst.add.f32.msk $0xffff, v16  }
0x154: {  	[tilespmem:s18+$0xA4F0] =	vst.add.f32.msk $0xffff, v17  }
0x155: {  	[tilespmem:s18+$0xA500] =	vst.add.f32.msk $0xffff, v18  }
0x156: {  	[tilespmem:s18+$0xA510] =	vst.add.f32.msk $0xffff, v19  }
0x157: {  	[tilespmem:s18+$0xA520] =	vst.add.f32.msk $0xffff, v20  }
0x158: {  	[tilespmem:s18+$0xA530] =	vst.add.f32.msk $0xffff, v21  }
0x159: {  	[tilespmem:s18+$0xA540] =	vst.add.f32.msk $0xffff, v22  }
0x15a: {  	[tilespmem:s18+$0xA550] =	vst.add.f32.msk $0xffff, v23  }
0x15b: {  	[tilespmem:s18+$0xA560] =	vst.add.f32.msk $0xffff, v24  }
0x15c: {  	[tilespmem:s18+$0xA570] =	vst.add.f32.msk $0xffff, v25  }
0x15d: {  	[tilespmem:s18+$0xA580] =	vst.add.f32.msk $0xffff, v26  }
.Ltmp4:
0x15e: {  	[tilespmem:s18+$0xA590] =	vst.add.f32.msk $0xffff, v27;
	(pc) =	sbr.rel @p1 .LBB2_7-.Ltmp4, $4  }
0x15f: {  	[tilespmem:s18+$0xA5A0] =	vst.add.f32.msk $0xffff, v28  }
0x160: {  	[tilespmem:s18+$0xA5B0] =	vst.add.f32.msk $0xffff, v29  }
0x161: {  	[tilespmem:s18+$0xA5C0] =	vst.add.f32.msk $0xffff, v30  }
0x162: {  	s20 =	sadd.s32 $0x800, s20;
	[tilespmem:s18+$0xA5D0] =	vst.add.f32.msk $0xffff, v31  }
.Ltmp5:
0x163: {  	(pc) =	sbr.rel @p0 .LBB2_10-.Ltmp5, $2  }
0x164: {  	_ =	sdelay $0x2  }
0x165: {  	[tilespmem:s18+$0xA5E0] =	vst.add.f32.msk $0xffff, v1  }
.Ltmp6:
0x166: {  	(pc) =	sbr.rel .LBB2_4-.Ltmp6, $4  }
0x167: {  	_ = 	snop  }
0x168: {  	s17 =	sshrl.u32 s17, $0x2  }
0x169: {  	s16 =	sadd.s32 $0x1, s16;
	s17 =	sadd.s32 $0x180, s17  }
0x16a: {  	[tilespmem:s11], [sflag:$0x2] =	stream.indirect.gather [hbm4b:s3+s7], $0x40, s17, s7, $0xb8;
	[tilespmem:$0xC400] =	vst v63  }
.LBB2_11:
0x16b: {  	_ =	sfence.sel $0x180000  }
0x16c: {  	[bflag:$0x0] =	sbarrier.arrive $0xFFFF  }
0x16d: {  	p0 =	sne.s32 s1, $0x0;
	_ =	strace $0x90000047  }
0x16e: {  	s0 =	sadd.s32 @!p0 $0x100000, s0;
	[bflag:$0x2] =	sbarrier.arrive $0xFFFF  }
0x16f: {  	[sflag:s0] =	ssyncadd.tile.s32 @!p0 $0x1;
	_ =	shalt  }
.Lfunc_end2:
_tile_overlayer_lowered:
.L_overlay_start_2:
0x170: {  	(tag) =	ssettag $0x2  }
0x171: {  	s0 =	rddreg [dreg:$0x0];
	s2 =	stileid.u32  }
0x172: {  	s1 =	rddreg [dreg:$0x1];
	p0 =	sne.s32 s2, $0x0  }
0x173: {  	s3 =	rddreg [dreg:$0x2];
	[bflag:$0x3] =	sbarrier.arrive $0xFFFF;
	s2 =	simm.s32 @!p0 $0x1C03  }
0x174: {  	[timem:s3], [sflag:s2] =	dma.local @!p0 [hbm:s0], s1  }
0x175: {  	s0 =	simm.s32 @!p0 $0x3  }
0x176: {  	_ =	swait.ge @!p0 [sflag:s0], s1  }
0x177: {  	s1 =	ssub.s32 @!p0 $0x0, s1;
	[sflag:s0] =	ssyncset.done @!p0 $0x0  }
0x178: {  	[sflag:s0] =	ssyncadd.s32 @!p0 s1  }
0x179: {  	[bflag:$0x3] =	sbarrier.arrive $0xFFFF  }
0x17a: {  	_ =	shalt  }

</sc_bundles>
